<compile_context>
chip_gen: v7x
topology: tpu7x:2x2x1
jax: 0.10.2.dev20260603
libtpu: 0.0.44.dev20260713+nightly
codegen_flags: <defaults>
</compile_context>

<pallas_src>
import functools

import jax
import jax.numpy as jnp
from jax import lax
from jax.experimental import pallas as pl
from jax.experimental.pallas import tpu as pltpu
from jax.experimental.pallas import tpu_sc as plsc

CONF_T = 0.3
NMS_T = 0.5
MAXDET = 100
NEGV = -1e9
B = 8
N = 20000
LANES = 16
UNROLL = 5


def _decode_body(bb_ref, conf_ref, anc_ref, coords_ref, scores_ref,
                 areas_ref):
    dx = bb_ref[0]
    dy = bb_ref[1]
    dw = bb_ref[2]
    dh = bb_ref[3]
    acx = anc_ref[0]
    acy = anc_ref[1]
    aw = anc_ref[2]
    ah = anc_ref[3]
    cx = acx + dx * aw
    cy = acy + dy * ah
    w = aw * jnp.exp(jnp.clip(dw, -4.0, 4.0))
    h = ah * jnp.exp(jnp.clip(dh, -4.0, 4.0))
    x1 = cx - w / 2
    y1 = cy - h / 2
    x2 = cx + w / 2
    y2 = cy + h / 2
    coords_ref[0] = x1
    coords_ref[1] = y1
    coords_ref[2] = x2
    coords_ref[3] = y2
    areas_ref[...] = (x2 - x1) * (y2 - y1)
    s = jax.nn.sigmoid(conf_ref[...])
    scores_ref[...] = jnp.where(s > CONF_T, s, NEGV)


def _decode(bb_t, conf_pred, anc_t):
    return pl.pallas_call(
        _decode_body,
        out_shape=[
            jax.ShapeDtypeStruct((4, B, N), jnp.float32),
            jax.ShapeDtypeStruct((B, N), jnp.float32),
            jax.ShapeDtypeStruct((B, N), jnp.float32),
        ],
    )(bb_t, conf_pred, anc_t)


def _nms_body(coords_hbm, scores_hbm, areas_hbm, out_hbm,
              x1, y1, x2, y2, sc, ar, outb):
    wid = lax.axis_index("s") * 2 + lax.axis_index("c")

    @pl.when(wid < B)
    def _():
        img = wid
        pltpu.sync_copy(coords_hbm.at[0, img], x1)
        pltpu.sync_copy(coords_hbm.at[1, img], y1)
        pltpu.sync_copy(coords_hbm.at[2, img], x2)
        pltpu.sync_copy(coords_hbm.at[3, img], y2)
        pltpu.sync_copy(scores_hbm.at[img], sc)
        pltpu.sync_copy(areas_hbm.at[img], ar)

        iota = lax.iota(jnp.int32, 16)
        negv = jnp.full((16,), NEGV, jnp.float32)
        init = (jnp.full((16,), -2e9, jnp.float32),
                jnp.zeros((16,), jnp.int32))

        gdn = lax.GatherDimensionNumbers(
            offset_dims=(), collapsed_slice_dims=(0,), start_index_map=(0,))

        def lane_perm(v, perm):
            return lax.gather(v, perm[:, None], gdn, slice_sizes=(1,),
                              mode=lax.GatherScatterMode.PROMISE_IN_BOUNDS)

        def reduce_best(best, bidx):
            for sh in (8, 4, 2, 1):
                perm = jnp.bitwise_and(iota + sh, 15)
                bv = lane_perm(best, perm)
                bi = lane_perm(bidx, perm)
                take = (bv > best) | ((bv == best) & (bi < bidx))
                best = jnp.where(take, bv, best)
                bidx = jnp.where(take, bi, bidx)
            return best, bidx

        @plsc.parallel_loop(0, N, step=LANES, unroll=UNROLL, carry=init)
        def amax0(base, carry):
            best, bidx = carry
            v = sc[pl.ds(base, LANES)]
            idx = iota + base
            gt = v > best
            best = jnp.where(gt, v, best)
            bidx = jnp.where(gt, idx, bidx)
            return best, bidx

        gmax0, gidx0 = reduce_best(*amax0)

        def step(k, carry):
            gmaxv, gidxv = carry
            bx1 = plsc.load_gather(x1, [gidxv])
            by1 = plsc.load_gather(y1, [gidxv])
            bx2 = plsc.load_gather(x2, [gidxv])
            by2 = plsc.load_gather(y2, [gidxv])
            barea = plsc.load_gather(ar, [gidxv])

            validv = gmaxv > CONF_T
            row = jnp.where(iota == 0, bx1, 0.0)
            row = jnp.where(iota == 1, by1, row)
            row = jnp.where(iota == 2, bx2, row)
            row = jnp.where(iota == 3, by2, row)
            row = jnp.where(iota == 4, gmaxv, row)
            row = jnp.where(validv, row, 0.0)
            outb[pl.ds(k * 16, 16)] = row

            @plsc.parallel_loop(0, N, step=LANES, unroll=UNROLL,
                                carry=init)
            def sweep(base, carry2):
                best, bidx = carry2
                x1c = x1[pl.ds(base, LANES)]
                y1c = y1[pl.ds(base, LANES)]
                x2c = x2[pl.ds(base, LANES)]
                y2c = y2[pl.ds(base, LANES)]
                scc = sc[pl.ds(base, LANES)]
                areac = ar[pl.ds(base, LANES)]
                xx1 = jnp.maximum(bx1, x1c)
                yy1 = jnp.maximum(by1, y1c)
                xx2 = jnp.minimum(bx2, x2c)
                yy2 = jnp.minimum(by2, y2c)
                inter = (jnp.maximum(xx2 - xx1, 0.0)
                         * jnp.maximum(yy2 - yy1, 0.0))
                iou = inter / (areac + barea - inter + 1e-6)
                scn = jnp.where(iou > NMS_T, negv, scc)
                sc[pl.ds(base, LANES)] = scn
                idx = iota + base
                gt = scn > best
                best = jnp.where(gt, scn, best)
                bidx = jnp.where(gt, idx, bidx)
                return best, bidx

            return reduce_best(*sweep)

        lax.fori_loop(0, MAXDET, step, (gmax0, gidx0))
        pltpu.sync_copy(outb, out_hbm.at[img])


def _nms(coords, scores, areas):
    mesh = plsc.VectorSubcoreMesh(core_axis_name="c", subcore_axis_name="s")
    f = functools.partial(
        pl.kernel,
        mesh=mesh,
        compiler_params=pltpu.CompilerParams(needs_layout_passes=False),
        out_type=jax.ShapeDtypeStruct((B, MAXDET * 16), jnp.float32),
        scratch_types=[
            pltpu.VMEM((N,), jnp.float32),
            pltpu.VMEM((N,), jnp.float32),
            pltpu.VMEM((N,), jnp.float32),
            pltpu.VMEM((N,), jnp.float32),
            pltpu.VMEM((N,), jnp.float32),
            pltpu.VMEM((N,), jnp.float32),
            pltpu.VMEM((MAXDET * 16,), jnp.float32),
        ],
    )(_nms_body)
    return f(coords, scores, areas)


def kernel(bbox_pred, conf_pred, anchors):
    bb_t = jnp.transpose(bbox_pred, (2, 0, 1))
    anc_t = jnp.transpose(anchors, (1, 0))[:, None, :]
    coords, scores, areas = _decode(bb_t, conf_pred, anc_t)
    out = _nms(coords, scores, areas)
    return out.reshape(B, MAXDET, 16)[:, :, :5]

# --- scband reference (transcript-rebuilt; emitter-appended) ---
"""Pipeline reference for scband-dog-detector-3839700762850 (READ-ONLY COPY).

The authoritative reference and input builder live on the scoring server;
editing this copy changes nothing except your own understanding.
"""

import jax, jax.numpy as jnp
import numpy as np

CONFIDENCE_THRESHOLD = 0.3
NMS_THRESHOLD = 0.5
MAX_DETECTIONS = 100
NEG = -1e9


def setup_inputs(seed: int = 0) -> dict:
    key = jax.random.key(seed)
    k1, k2, k3, k4 = jax.random.split(key, 4)
    B, N = 8, 20000
    bbox_pred = jax.random.normal(k1, (B, N, 4), dtype=jnp.float32) * 0.1
    conf_pred = jax.random.normal(k2, (B, N), dtype=jnp.float32)
    centers = jax.random.uniform(k3, (N, 2), minval=0.0, maxval=512.0, dtype=jnp.float32)
    wh = jax.random.uniform(k4, (N, 2), minval=8.0, maxval=128.0, dtype=jnp.float32)
    anchors = jnp.concatenate([centers, wh], axis=1)
    return {"bbox_pred": bbox_pred, "conf_pred": conf_pred, "anchors": anchors}


def decode_boxes(deltas, anchors):
    acx, acy, aw, ah = anchors[:, 0], anchors[:, 1], anchors[:, 2], anchors[:, 3]
    cx = acx + deltas[:, 0] * aw
    cy = acy + deltas[:, 1] * ah
    w = aw * jnp.exp(jnp.clip(deltas[:, 2], -4.0, 4.0))
    h = ah * jnp.exp(jnp.clip(deltas[:, 3], -4.0, 4.0))
    return jnp.stack([cx - w / 2, cy - h / 2, cx + w / 2, cy + h / 2], axis=1)


def _nms_single(boxes, scores):
    areas = (boxes[:, 2] - boxes[:, 0]) * (boxes[:, 3] - boxes[:, 1])

    def step(sw, _):
        idx = jnp.argmax(sw)
        best = sw[idx]
        valid = best > CONFIDENCE_THRESHOLD
        b = boxes[idx]
        xx1 = jnp.maximum(b[0], boxes[:, 0])
        yy1 = jnp.maximum(b[1], boxes[:, 1])
        xx2 = jnp.minimum(b[2], boxes[:, 2])
        yy2 = jnp.minimum(b[3], boxes[:, 3])
        inter = jnp.clip(xx2 - xx1, 0.0) * jnp.clip(yy2 - yy1, 0.0)
        ious = inter / (areas + areas[idx] - inter + 1e-6)
        sw_new = jnp.where(ious > NMS_THRESHOLD, NEG, sw)
        sw_new = sw_new.at[idx].set(NEG)
        out_box = jnp.where(valid, b, 0.0)
        out_score = jnp.where(valid, best, 0.0)
        return sw_new, (out_box, out_score)

    _, (keep_boxes, keep_scores) = jax.lax.scan(step, scores, None, length=MAX_DETECTIONS)
    return keep_boxes, keep_scores


def reference(bbox_pred, conf_pred, anchors):
    conf_scores = jax.nn.sigmoid(conf_pred)
    masked = jnp.where(conf_scores > CONFIDENCE_THRESHOLD, conf_scores, NEG)
    boxes = jax.vmap(decode_boxes, in_axes=(0, None))(bbox_pred, anchors)
    keep_boxes, keep_scores = jax.vmap(_nms_single)(boxes, masked)
    return jnp.concatenate([keep_boxes, keep_scores[..., None]], axis=-1)

if __name__ == "__main__":
    import jax
    _d = setup_inputs()
    print(jax.jit(kernel)(*tuple(_d.values())))

</pallas_src>

<mosaic_0001>
#map = affine_map<(d0, d1) -> (0, 0, 0)>
#map1 = affine_map<(d0, d1) -> (0, 0)>
module attributes {stable_mosaic.version = 14 : i64} {
  func.func @_nms_body(%arg0: i32, %arg1: i32, %arg2: memref<4x8x20000xf32, #tpu.memory_space<hbm>>, %arg3: memref<8x20000xf32, #tpu.memory_space<hbm>>, %arg4: memref<8x20000xf32, #tpu.memory_space<hbm>>, %arg5: memref<8x1600xf32, #tpu.memory_space<hbm>>, %arg6: memref<20000xf32, #tpu.memory_space<vmem>>, %arg7: memref<20000xf32, #tpu.memory_space<vmem>>, %arg8: memref<20000xf32, #tpu.memory_space<vmem>>, %arg9: memref<20000xf32, #tpu.memory_space<vmem>>, %arg10: memref<20000xf32, #tpu.memory_space<vmem>>, %arg11: memref<20000xf32, #tpu.memory_space<vmem>>, %arg12: memref<1600xf32, #tpu.memory_space<vmem>>) attributes {dimension_semantics = [#tpu.dimension_semantics<core_parallel>, #tpu.dimension_semantics<subcore_parallel>], iteration_bounds = array<i64: 2, 16>, scalar_prefetch = 0 : i64, scratch_operands = 7 : i64, tpu.core_type = #tpu.core_type<sc_vector_subcore>, window_params = [{transform_indices = #map}, {transform_indices = #map1}, {transform_indices = #map1}, {transform_indices = #map1}]} {
    %mul3A = arith.constant 2 : i32
    %mul3A_0 = arith.muli %arg1, %mul3A : i32
    %add3A = arith.addi %mul3A_0, %arg0 : i32
    %lt3A = arith.constant 8 : i32
    %lt3A_1 = arith.cmpi slt, %add3A, %lt3A : i32
    %convert_element_type3A = arith.extui %lt3A_1 : i1 to i32
    %cond3A = arith.constant 0 : i32
    %cond3A_2 = arith.cmpi ne, %convert_element_type3A, %cond3A : i32
    scf.if %cond3A_2 {
      %run_scoped3A = arith.constant 0 : i32
      "tpu.region"() ({
        %run_scoped3A_89 = tpu.sem_alloc : memref<!tpu.dma_semaphore, #tpu.memory_space<semaphore_mem>>
        %dma_start3A = arith.constant 0 : i32
        %dma_start3A_90 = tpu.memref_slice %arg2[%run_scoped3A, %add3A, %dma_start3A] : memref<4x8x20000xf32, #tpu.memory_space<hbm>> -> memref<1x1x20000xf32, #tpu.memory_space<hbm>>
        %dma_start3A_91 = tpu.memref_squeeze %dma_start3A_90 : memref<1x1x20000xf32, #tpu.memory_space<hbm>> -> memref<20000xf32, #tpu.memory_space<hbm>>
        %dma_start3A_92 = arith.constant 0 : i32
        %dma_start3A_93 = tpu.memref_slice %arg2[%run_scoped3A, %add3A, %dma_start3A_92] : memref<4x8x20000xf32, #tpu.memory_space<hbm>> -> memref<1x1x20000xf32, #tpu.memory_space<hbm>>
        %dma_start3A_94 = tpu.memref_squeeze %dma_start3A_93 : memref<1x1x20000xf32, #tpu.memory_space<hbm>> -> memref<20000xf32, #tpu.memory_space<hbm>>
        tpu.enqueue_dma source(%dma_start3A_94 : memref<20000xf32, #tpu.memory_space<hbm>>) target(%arg6 : memref<20000xf32, #tpu.memory_space<vmem>>) target_semaphore(%run_scoped3A_89 : memref<!tpu.dma_semaphore, #tpu.memory_space<semaphore_mem>>)
        %dma_wait3A = arith.constant 0 : i32
        %dma_wait3A_95 = tpu.memref_slice %arg2[%run_scoped3A, %add3A, %dma_wait3A] : memref<4x8x20000xf32, #tpu.memory_space<hbm>> -> memref<1x1x20000xf32, #tpu.memory_space<hbm>>
        %dma_wait3A_96 = tpu.memref_squeeze %dma_wait3A_95 : memref<1x1x20000xf32, #tpu.memory_space<hbm>> -> memref<20000xf32, #tpu.memory_space<hbm>>
        %dma_wait3A_97 = arith.constant 0 : i32
        %dma_wait3A_98 = tpu.memref_slice %arg2[%run_scoped3A, %add3A, %dma_wait3A_97] : memref<4x8x20000xf32, #tpu.memory_space<hbm>> -> memref<1x1x20000xf32, #tpu.memory_space<hbm>>
        %dma_wait3A_99 = tpu.memref_squeeze %dma_wait3A_98 : memref<1x1x20000xf32, #tpu.memory_space<hbm>> -> memref<20000xf32, #tpu.memory_space<hbm>>
        tpu.wait_dma2 semaphore(%run_scoped3A_89 : memref<!tpu.dma_semaphore, #tpu.memory_space<semaphore_mem>>) src(%dma_wait3A_99 : memref<20000xf32, #tpu.memory_space<hbm>>) dst(%arg6 : memref<20000xf32, #tpu.memory_space<vmem>>)
        tpu.yield
      }) : () -> ()
      %run_scoped3A_3 = arith.constant 1 : i32
      "tpu.region"() ({
        %run_scoped3A_89 = tpu.sem_alloc : memref<!tpu.dma_semaphore, #tpu.memory_space<semaphore_mem>>
        %dma_start3A = arith.constant 0 : i32
        %dma_start3A_90 = tpu.memref_slice %arg2[%run_scoped3A_3, %add3A, %dma_start3A] : memref<4x8x20000xf32, #tpu.memory_space<hbm>> -> memref<1x1x20000xf32, #tpu.memory_space<hbm>>
        %dma_start3A_91 = tpu.memref_squeeze %dma_start3A_90 : memref<1x1x20000xf32, #tpu.memory_space<hbm>> -> memref<20000xf32, #tpu.memory_space<hbm>>
        %dma_start3A_92 = arith.constant 0 : i32
        %dma_start3A_93 = tpu.memref_slice %arg2[%run_scoped3A_3, %add3A, %dma_start3A_92] : memref<4x8x20000xf32, #tpu.memory_space<hbm>> -> memref<1x1x20000xf32, #tpu.memory_space<hbm>>
        %dma_start3A_94 = tpu.memref_squeeze %dma_start3A_93 : memref<1x1x20000xf32, #tpu.memory_space<hbm>> -> memref<20000xf32, #tpu.memory_space<hbm>>
        tpu.enqueue_dma source(%dma_start3A_94 : memref<20000xf32, #tpu.memory_space<hbm>>) target(%arg7 : memref<20000xf32, #tpu.memory_space<vmem>>) target_semaphore(%run_scoped3A_89 : memref<!tpu.dma_semaphore, #tpu.memory_space<semaphore_mem>>)
        %dma_wait3A = arith.constant 0 : i32
        %dma_wait3A_95 = tpu.memref_slice %arg2[%run_scoped3A_3, %add3A, %dma_wait3A] : memref<4x8x20000xf32, #tpu.memory_space<hbm>> -> memref<1x1x20000xf32, #tpu.memory_space<hbm>>
        %dma_wait3A_96 = tpu.memref_squeeze %dma_wait3A_95 : memref<1x1x20000xf32, #tpu.memory_space<hbm>> -> memref<20000xf32, #tpu.memory_space<hbm>>
        %dma_wait3A_97 = arith.constant 0 : i32
        %dma_wait3A_98 = tpu.memref_slice %arg2[%run_scoped3A_3, %add3A, %dma_wait3A_97] : memref<4x8x20000xf32, #tpu.memory_space<hbm>> -> memref<1x1x20000xf32, #tpu.memory_space<hbm>>
        %dma_wait3A_99 = tpu.memref_squeeze %dma_wait3A_98 : memref<1x1x20000xf32, #tpu.memory_space<hbm>> -> memref<20000xf32, #tpu.memory_space<hbm>>
        tpu.wait_dma2 semaphore(%run_scoped3A_89 : memref<!tpu.dma_semaphore, #tpu.memory_space<semaphore_mem>>) src(%dma_wait3A_99 : memref<20000xf32, #tpu.memory_space<hbm>>) dst(%arg7 : memref<20000xf32, #tpu.memory_space<vmem>>)
        tpu.yield
      }) : () -> ()
      %run_scoped3A_4 = arith.constant 2 : i32
      "tpu.region"() ({
        %run_scoped3A_89 = tpu.sem_alloc : memref<!tpu.dma_semaphore, #tpu.memory_space<semaphore_mem>>
        %dma_start3A = arith.constant 0 : i32
        %dma_start3A_90 = tpu.memref_slice %arg2[%run_scoped3A_4, %add3A, %dma_start3A] : memref<4x8x20000xf32, #tpu.memory_space<hbm>> -> memref<1x1x20000xf32, #tpu.memory_space<hbm>>
        %dma_start3A_91 = tpu.memref_squeeze %dma_start3A_90 : memref<1x1x20000xf32, #tpu.memory_space<hbm>> -> memref<20000xf32, #tpu.memory_space<hbm>>
        %dma_start3A_92 = arith.constant 0 : i32
        %dma_start3A_93 = tpu.memref_slice %arg2[%run_scoped3A_4, %add3A, %dma_start3A_92] : memref<4x8x20000xf32, #tpu.memory_space<hbm>> -> memref<1x1x20000xf32, #tpu.memory_space<hbm>>
        %dma_start3A_94 = tpu.memref_squeeze %dma_start3A_93 : memref<1x1x20000xf32, #tpu.memory_space<hbm>> -> memref<20000xf32, #tpu.memory_space<hbm>>
        tpu.enqueue_dma source(%dma_start3A_94 : memref<20000xf32, #tpu.memory_space<hbm>>) target(%arg8 : memref<20000xf32, #tpu.memory_space<vmem>>) target_semaphore(%run_scoped3A_89 : memref<!tpu.dma_semaphore, #tpu.memory_space<semaphore_mem>>)
        %dma_wait3A = arith.constant 0 : i32
        %dma_wait3A_95 = tpu.memref_slice %arg2[%run_scoped3A_4, %add3A, %dma_wait3A] : memref<4x8x20000xf32, #tpu.memory_space<hbm>> -> memref<1x1x20000xf32, #tpu.memory_space<hbm>>
        %dma_wait3A_96 = tpu.memref_squeeze %dma_wait3A_95 : memref<1x1x20000xf32, #tpu.memory_space<hbm>> -> memref<20000xf32, #tpu.memory_space<hbm>>
        %dma_wait3A_97 = arith.constant 0 : i32
        %dma_wait3A_98 = tpu.memref_slice %arg2[%run_scoped3A_4, %add3A, %dma_wait3A_97] : memref<4x8x20000xf32, #tpu.memory_space<hbm>> -> memref<1x1x20000xf32, #tpu.memory_space<hbm>>
        %dma_wait3A_99 = tpu.memref_squeeze %dma_wait3A_98 : memref<1x1x20000xf32, #tpu.memory_space<hbm>> -> memref<20000xf32, #tpu.memory_space<hbm>>
        tpu.wait_dma2 semaphore(%run_scoped3A_89 : memref<!tpu.dma_semaphore, #tpu.memory_space<semaphore_mem>>) src(%dma_wait3A_99 : memref<20000xf32, #tpu.memory_space<hbm>>) dst(%arg8 : memref<20000xf32, #tpu.memory_space<vmem>>)
        tpu.yield
      }) : () -> ()
      %run_scoped3A_5 = arith.constant 3 : i32
      "tpu.region"() ({
        %run_scoped3A_89 = tpu.sem_alloc : memref<!tpu.dma_semaphore, #tpu.memory_space<semaphore_mem>>
        %dma_start3A = arith.constant 0 : i32
        %dma_start3A_90 = tpu.memref_slice %arg2[%run_scoped3A_5, %add3A, %dma_start3A] : memref<4x8x20000xf32, #tpu.memory_space<hbm>> -> memref<1x1x20000xf32, #tpu.memory_space<hbm>>
        %dma_start3A_91 = tpu.memref_squeeze %dma_start3A_90 : memref<1x1x20000xf32, #tpu.memory_space<hbm>> -> memref<20000xf32, #tpu.memory_space<hbm>>
        %dma_start3A_92 = arith.constant 0 : i32
        %dma_start3A_93 = tpu.memref_slice %arg2[%run_scoped3A_5, %add3A, %dma_start3A_92] : memref<4x8x20000xf32, #tpu.memory_space<hbm>> -> memref<1x1x20000xf32, #tpu.memory_space<hbm>>
        %dma_start3A_94 = tpu.memref_squeeze %dma_start3A_93 : memref<1x1x20000xf32, #tpu.memory_space<hbm>> -> memref<20000xf32, #tpu.memory_space<hbm>>
        tpu.enqueue_dma source(%dma_start3A_94 : memref<20000xf32, #tpu.memory_space<hbm>>) target(%arg9 : memref<20000xf32, #tpu.memory_space<vmem>>) target_semaphore(%run_scoped3A_89 : memref<!tpu.dma_semaphore, #tpu.memory_space<semaphore_mem>>)
        %dma_wait3A = arith.constant 0 : i32
        %dma_wait3A_95 = tpu.memref_slice %arg2[%run_scoped3A_5, %add3A, %dma_wait3A] : memref<4x8x20000xf32, #tpu.memory_space<hbm>> -> memref<1x1x20000xf32, #tpu.memory_space<hbm>>
        %dma_wait3A_96 = tpu.memref_squeeze %dma_wait3A_95 : memref<1x1x20000xf32, #tpu.memory_space<hbm>> -> memref<20000xf32, #tpu.memory_space<hbm>>
        %dma_wait3A_97 = arith.constant 0 : i32
        %dma_wait3A_98 = tpu.memref_slice %arg2[%run_scoped3A_5, %add3A, %dma_wait3A_97] : memref<4x8x20000xf32, #tpu.memory_space<hbm>> -> memref<1x1x20000xf32, #tpu.memory_space<hbm>>
        %dma_wait3A_99 = tpu.memref_squeeze %dma_wait3A_98 : memref<1x1x20000xf32, #tpu.memory_space<hbm>> -> memref<20000xf32, #tpu.memory_space<hbm>>
        tpu.wait_dma2 semaphore(%run_scoped3A_89 : memref<!tpu.dma_semaphore, #tpu.memory_space<semaphore_mem>>) src(%dma_wait3A_99 : memref<20000xf32, #tpu.memory_space<hbm>>) dst(%arg9 : memref<20000xf32, #tpu.memory_space<vmem>>)
        tpu.yield
      }) : () -> ()
      "tpu.region"() ({
        %run_scoped3A_89 = tpu.sem_alloc : memref<!tpu.dma_semaphore, #tpu.memory_space<semaphore_mem>>
        %dma_start3A = arith.constant 0 : i32
        %dma_start3A_90 = tpu.memref_slice %arg3[%add3A, %dma_start3A] : memref<8x20000xf32, #tpu.memory_space<hbm>> -> memref<1x20000xf32, #tpu.memory_space<hbm>>
        %dma_start3A_91 = tpu.memref_squeeze %dma_start3A_90 : memref<1x20000xf32, #tpu.memory_space<hbm>> -> memref<20000xf32, #tpu.memory_space<hbm>>
        %dma_start3A_92 = arith.constant 0 : i32
        %dma_start3A_93 = tpu.memref_slice %arg3[%add3A, %dma_start3A_92] : memref<8x20000xf32, #tpu.memory_space<hbm>> -> memref<1x20000xf32, #tpu.memory_space<hbm>>
        %dma_start3A_94 = tpu.memref_squeeze %dma_start3A_93 : memref<1x20000xf32, #tpu.memory_space<hbm>> -> memref<20000xf32, #tpu.memory_space<hbm>>
        tpu.enqueue_dma source(%dma_start3A_94 : memref<20000xf32, #tpu.memory_space<hbm>>) target(%arg10 : memref<20000xf32, #tpu.memory_space<vmem>>) target_semaphore(%run_scoped3A_89 : memref<!tpu.dma_semaphore, #tpu.memory_space<semaphore_mem>>)
        %dma_wait3A = arith.constant 0 : i32
        %dma_wait3A_95 = tpu.memref_slice %arg3[%add3A, %dma_wait3A] : memref<8x20000xf32, #tpu.memory_space<hbm>> -> memref<1x20000xf32, #tpu.memory_space<hbm>>
        %dma_wait3A_96 = tpu.memref_squeeze %dma_wait3A_95 : memref<1x20000xf32, #tpu.memory_space<hbm>> -> memref<20000xf32, #tpu.memory_space<hbm>>
        %dma_wait3A_97 = arith.constant 0 : i32
        %dma_wait3A_98 = tpu.memref_slice %arg3[%add3A, %dma_wait3A_97] : memref<8x20000xf32, #tpu.memory_space<hbm>> -> memref<1x20000xf32, #tpu.memory_space<hbm>>
        %dma_wait3A_99 = tpu.memref_squeeze %dma_wait3A_98 : memref<1x20000xf32, #tpu.memory_space<hbm>> -> memref<20000xf32, #tpu.memory_space<hbm>>
        tpu.wait_dma2 semaphore(%run_scoped3A_89 : memref<!tpu.dma_semaphore, #tpu.memory_space<semaphore_mem>>) src(%dma_wait3A_99 : memref<20000xf32, #tpu.memory_space<hbm>>) dst(%arg10 : memref<20000xf32, #tpu.memory_space<vmem>>)
        tpu.yield
      }) : () -> ()
      "tpu.region"() ({
        %run_scoped3A_89 = tpu.sem_alloc : memref<!tpu.dma_semaphore, #tpu.memory_space<semaphore_mem>>
        %dma_start3A = arith.constant 0 : i32
        %dma_start3A_90 = tpu.memref_slice %arg4[%add3A, %dma_start3A] : memref<8x20000xf32, #tpu.memory_space<hbm>> -> memref<1x20000xf32, #tpu.memory_space<hbm>>
        %dma_start3A_91 = tpu.memref_squeeze %dma_start3A_90 : memref<1x20000xf32, #tpu.memory_space<hbm>> -> memref<20000xf32, #tpu.memory_space<hbm>>
        %dma_start3A_92 = arith.constant 0 : i32
        %dma_start3A_93 = tpu.memref_slice %arg4[%add3A, %dma_start3A_92] : memref<8x20000xf32, #tpu.memory_space<hbm>> -> memref<1x20000xf32, #tpu.memory_space<hbm>>
        %dma_start3A_94 = tpu.memref_squeeze %dma_start3A_93 : memref<1x20000xf32, #tpu.memory_space<hbm>> -> memref<20000xf32, #tpu.memory_space<hbm>>
        tpu.enqueue_dma source(%dma_start3A_94 : memref<20000xf32, #tpu.memory_space<hbm>>) target(%arg11 : memref<20000xf32, #tpu.memory_space<vmem>>) target_semaphore(%run_scoped3A_89 : memref<!tpu.dma_semaphore, #tpu.memory_space<semaphore_mem>>)
        %dma_wait3A = arith.constant 0 : i32
        %dma_wait3A_95 = tpu.memref_slice %arg4[%add3A, %dma_wait3A] : memref<8x20000xf32, #tpu.memory_space<hbm>> -> memref<1x20000xf32, #tpu.memory_space<hbm>>
        %dma_wait3A_96 = tpu.memref_squeeze %dma_wait3A_95 : memref<1x20000xf32, #tpu.memory_space<hbm>> -> memref<20000xf32, #tpu.memory_space<hbm>>
        %dma_wait3A_97 = arith.constant 0 : i32
        %dma_wait3A_98 = tpu.memref_slice %arg4[%add3A, %dma_wait3A_97] : memref<8x20000xf32, #tpu.memory_space<hbm>> -> memref<1x20000xf32, #tpu.memory_space<hbm>>
        %dma_wait3A_99 = tpu.memref_squeeze %dma_wait3A_98 : memref<1x20000xf32, #tpu.memory_space<hbm>> -> memref<20000xf32, #tpu.memory_space<hbm>>
        tpu.wait_dma2 semaphore(%run_scoped3A_89 : memref<!tpu.dma_semaphore, #tpu.memory_space<semaphore_mem>>) src(%dma_wait3A_99 : memref<20000xf32, #tpu.memory_space<hbm>>) dst(%arg11 : memref<20000xf32, #tpu.memory_space<vmem>>)
        tpu.yield
      }) : () -> ()
      %iota3A = tpu.iota {dimensions = array<i32: 0>} : vector<16xi32>
      %broadcast_in_dim3A = arith.constant -1.000000e+09 : f32
      %broadcast_in_dim3A_6 = vector.broadcast %broadcast_in_dim3A : f32 to vector<16xf32>
      %broadcast_in_dim3A_7 = arith.constant -2.000000e+09 : f32
      %broadcast_in_dim3A_8 = vector.broadcast %broadcast_in_dim3A_7 : f32 to vector<16xf32>
      %broadcast_in_dim3A_9 = arith.constant 0 : i32
      %broadcast_in_dim3A_10 = vector.broadcast %broadcast_in_dim3A_9 : i32 to vector<16xi32>
      %parallel_loop3A = arith.constant 0 : i32
      %parallel_loop3A_11 = arith.constant 20000 : i32
      %parallel_loop3A_12 = arith.constant 16 : i32
      %parallel_loop3A_13:2 = scf.for %parallel_loop3A_89 = %parallel_loop3A to %parallel_loop3A_11 step %parallel_loop3A_12 iter_args(%parallel_loop3A_90 = %broadcast_in_dim3A_8, %parallel_loop3A_91 = %broadcast_in_dim3A_10) -> (vector<16xf32>, vector<16xi32>)  : i32 {
        %parallel_loop3A_92 = arith.index_cast %parallel_loop3A_89 : i32 to index
        %parallel_loop3A_93 = tpu.vector_load %arg10[%parallel_loop3A_92] {strides = array<i32>} : memref<20000xf32, #tpu.memory_space<vmem>>, vector<16xf32>,
        %parallel_loop3A_94 = vector.broadcast %parallel_loop3A_89 : i32 to vector<16xi32>
        %parallel_loop3A_95 = arith.addi %iota3A, %parallel_loop3A_94 : vector<16xi32>
        %parallel_loop3A_96 = arith.cmpf ogt, %parallel_loop3A_93, %parallel_loop3A_90 : vector<16xf32>
        %parallel_loop3A_97 = arith.select %parallel_loop3A_96, %parallel_loop3A_93, %parallel_loop3A_90 : vector<16xi1>, vector<16xf32>
        %parallel_loop3A_98 = arith.select %parallel_loop3A_96, %parallel_loop3A_95, %parallel_loop3A_91 : vector<16xi1>, vector<16xi32>
        scf.yield %parallel_loop3A_97, %parallel_loop3A_98 : vector<16xf32>, vector<16xi32>
      } {sc.loop_unroll_factor = 5 : i64, sc.parallel_access}
      %add3A_14 = arith.constant 8 : i32
      %add3A_15 = vector.broadcast %add3A_14 : i32 to vector<16xi32>
      %add3A_16 = arith.addi %iota3A, %add3A_15 : vector<16xi32>
      %and3A = arith.constant 15 : i32
      %and3A_17 = vector.broadcast %and3A : i32 to vector<16xi32>
      %and3A_18 = arith.andi %add3A_16, %and3A_17 : vector<16xi32>
      %broadcast_in_dim3A_19 = vector.shape_cast %and3A_18 : vector<16xi32> to vector<16x1xi32>
      %gather3A = vector.shape_cast %broadcast_in_dim3A_19 : vector<16x1xi32> to vector<16xi32>
      %gather3A_20 = tpu.dynamic_gather %parallel_loop3A_13#0[%gather3A] in [0] : vector<16xf32>, vector<16xi32> -> vector<16xf32>
      %broadcast_in_dim3A_21 = vector.shape_cast %and3A_18 : vector<16xi32> to vector<16x1xi32>
      %gather3A_22 = vector.shape_cast %broadcast_in_dim3A_21 : vector<16x1xi32> to vector<16xi32>
      %gather3A_23 = tpu.dynamic_gather %parallel_loop3A_13#1[%gather3A_22] in [0] : vector<16xi32>, vector<16xi32> -> vector<16xi32>
      %gt3A = arith.cmpf ogt, %gather3A_20, %parallel_loop3A_13#0 : vector<16xf32>
      %eq3A = arith.cmpf oeq, %gather3A_20, %parallel_loop3A_13#0 : vector<16xf32>
      %lt3A_24 = arith.cmpi slt, %gather3A_23, %parallel_loop3A_13#1 : vector<16xi32>
      %and3A_25 = arith.andi %eq3A, %lt3A_24 : vector<16xi1>
      %or3A = arith.ori %gt3A, %and3A_25 : vector<16xi1>
      %select_n3A = arith.select %or3A, %gather3A_20, %parallel_loop3A_13#0 : vector<16xi1>, vector<16xf32>
      %select_n3A_26 = arith.select %or3A, %gather3A_23, %parallel_loop3A_13#1 : vector<16xi1>, vector<16xi32>
      %add3A_27 = arith.constant 4 : i32
      %add3A_28 = vector.broadcast %add3A_27 : i32 to vector<16xi32>
      %add3A_29 = arith.addi %iota3A, %add3A_28 : vector<16xi32>
      %and3A_30 = arith.constant 15 : i32
      %and3A_31 = vector.broadcast %and3A_30 : i32 to vector<16xi32>
      %and3A_32 = arith.andi %add3A_29, %and3A_31 : vector<16xi32>
      %broadcast_in_dim3A_33 = vector.shape_cast %and3A_32 : vector<16xi32> to vector<16x1xi32>
      %gather3A_34 = vector.shape_cast %broadcast_in_dim3A_33 : vector<16x1xi32> to vector<16xi32>
      %gather3A_35 = tpu.dynamic_gather %select_n3A[%gather3A_34] in [0] : vector<16xf32>, vector<16xi32> -> vector<16xf32>
      %broadcast_in_dim3A_36 = vector.shape_cast %and3A_32 : vector<16xi32> to vector<16x1xi32>
      %gather3A_37 = vector.shape_cast %broadcast_in_dim3A_36 : vector<16x1xi32> to vector<16xi32>
      %gather3A_38 = tpu.dynamic_gather %select_n3A_26[%gather3A_37] in [0] : vector<16xi32>, vector<16xi32> -> vector<16xi32>
      %gt3A_39 = arith.cmpf ogt, %gather3A_35, %select_n3A : vector<16xf32>
      %eq3A_40 = arith.cmpf oeq, %gather3A_35, %select_n3A : vector<16xf32>
      %lt3A_41 = arith.cmpi slt, %gather3A_38, %select_n3A_26 : vector<16xi32>
      %and3A_42 = arith.andi %eq3A_40, %lt3A_41 : vector<16xi1>
      %or3A_43 = arith.ori %gt3A_39, %and3A_42 : vector<16xi1>
      %select_n3A_44 = arith.select %or3A_43, %gather3A_35, %select_n3A : vector<16xi1>, vector<16xf32>
      %select_n3A_45 = arith.select %or3A_43, %gather3A_38, %select_n3A_26 : vector<16xi1>, vector<16xi32>
      %add3A_46 = arith.constant 2 : i32
      %add3A_47 = vector.broadcast %add3A_46 : i32 to vector<16xi32>
      %add3A_48 = arith.addi %iota3A, %add3A_47 : vector<16xi32>
      %and3A_49 = arith.constant 15 : i32
      %and3A_50 = vector.broadcast %and3A_49 : i32 to vector<16xi32>
      %and3A_51 = arith.andi %add3A_48, %and3A_50 : vector<16xi32>
      %broadcast_in_dim3A_52 = vector.shape_cast %and3A_51 : vector<16xi32> to vector<16x1xi32>
      %gather3A_53 = vector.shape_cast %broadcast_in_dim3A_52 : vector<16x1xi32> to vector<16xi32>
      %gather3A_54 = tpu.dynamic_gather %select_n3A_44[%gather3A_53] in [0] : vector<16xf32>, vector<16xi32> -> vector<16xf32>
      %broadcast_in_dim3A_55 = vector.shape_cast %and3A_51 : vector<16xi32> to vector<16x1xi32>
      %gather3A_56 = vector.shape_cast %broadcast_in_dim3A_55 : vector<16x1xi32> to vector<16xi32>
      %gather3A_57 = tpu.dynamic_gather %select_n3A_45[%gather3A_56] in [0] : vector<16xi32>, vector<16xi32> -> vector<16xi32>
      %gt3A_58 = arith.cmpf ogt, %gather3A_54, %select_n3A_44 : vector<16xf32>
      %eq3A_59 = arith.cmpf oeq, %gather3A_54, %select_n3A_44 : vector<16xf32>
      %lt3A_60 = arith.cmpi slt, %gather3A_57, %select_n3A_45 : vector<16xi32>
      %and3A_61 = arith.andi %eq3A_59, %lt3A_60 : vector<16xi1>
      %or3A_62 = arith.ori %gt3A_58, %and3A_61 : vector<16xi1>
      %select_n3A_63 = arith.select %or3A_62, %gather3A_54, %select_n3A_44 : vector<16xi1>, vector<16xf32>
      %select_n3A_64 = arith.select %or3A_62, %gather3A_57, %select_n3A_45 : vector<16xi1>, vector<16xi32>
      %add3A_65 = arith.constant 1 : i32
      %add3A_66 = vector.broadcast %add3A_65 : i32 to vector<16xi32>
      %add3A_67 = arith.addi %iota3A, %add3A_66 : vector<16xi32>
      %and3A_68 = arith.constant 15 : i32
      %and3A_69 = vector.broadcast %and3A_68 : i32 to vector<16xi32>
      %and3A_70 = arith.andi %add3A_67, %and3A_69 : vector<16xi32>
      %broadcast_in_dim3A_71 = vector.shape_cast %and3A_70 : vector<16xi32> to vector<16x1xi32>
      %gather3A_72 = vector.shape_cast %broadcast_in_dim3A_71 : vector<16x1xi32> to vector<16xi32>
      %gather3A_73 = tpu.dynamic_gather %select_n3A_63[%gather3A_72] in [0] : vector<16xf32>, vector<16xi32> -> vector<16xf32>
      %broadcast_in_dim3A_74 = vector.shape_cast %and3A_70 : vector<16xi32> to vector<16x1xi32>
      %gather3A_75 = vector.shape_cast %broadcast_in_dim3A_74 : vector<16x1xi32> to vector<16xi32>
      %gather3A_76 = tpu.dynamic_gather %select_n3A_64[%gather3A_75] in [0] : vector<16xi32>, vector<16xi32> -> vector<16xi32>
      %gt3A_77 = arith.cmpf ogt, %gather3A_73, %select_n3A_63 : vector<16xf32>
      %eq3A_78 = arith.cmpf oeq, %gather3A_73, %select_n3A_63 : vector<16xf32>
      %lt3A_79 = arith.cmpi slt, %gather3A_76, %select_n3A_64 : vector<16xi32>
      %and3A_80 = arith.andi %eq3A_78, %lt3A_79 : vector<16xi1>
      %or3A_81 = arith.ori %gt3A_77, %and3A_80 : vector<16xi1>
      %select_n3A_82 = arith.select %or3A_81, %gather3A_73, %select_n3A_63 : vector<16xi1>, vector<16xf32>
      %select_n3A_83 = arith.select %or3A_81, %gather3A_76, %select_n3A_64 : vector<16xi1>, vector<16xi32>
      %scan3A = arith.constant 0 : i32
      %scan3A_84 = arith.constant 100 : i32
      %scan3A_85 = arith.addi %scan3A, %scan3A_84 : i32
      %scan3A_86 = arith.constant 1 : i32
      %scan3A_87:2 = scf.for %scan3A_89 = %scan3A to %scan3A_85 step %scan3A_86 iter_args(%scan3A_90 = %select_n3A_82, %scan3A_91 = %select_n3A_83) -> (vector<16xf32>, vector<16xi32>)  : i32 {
        %gather3A_92 = tpu.vector_load_idx %arg6[%scan3A_91] : memref<20000xf32, #tpu.memory_space<vmem>>[vector<16xi32>], vector<16xf32>,
        %gather3A_93 = tpu.vector_load_idx %arg7[%scan3A_91] : memref<20000xf32, #tpu.memory_space<vmem>>[vector<16xi32>], vector<16xf32>,
        %gather3A_94 = tpu.vector_load_idx %arg8[%scan3A_91] : memref<20000xf32, #tpu.memory_space<vmem>>[vector<16xi32>], vector<16xf32>,
        %gather3A_95 = tpu.vector_load_idx %arg9[%scan3A_91] : memref<20000xf32, #tpu.memory_space<vmem>>[vector<16xi32>], vector<16xf32>,
        %gather3A_96 = tpu.vector_load_idx %arg11[%scan3A_91] : memref<20000xf32, #tpu.memory_space<vmem>>[vector<16xi32>], vector<16xf32>,
        %gt3A_97 = arith.constant 3.000000e-01 : f32
        %gt3A_98 = vector.broadcast %gt3A_97 : f32 to vector<16xf32>
        %gt3A_99 = arith.cmpf ogt, %scan3A_90, %gt3A_98 : vector<16xf32>
        %eq3A_100 = arith.constant 0 : i32
        %eq3A_101 = vector.broadcast %eq3A_100 : i32 to vector<16xi32>
        %eq3A_102 = arith.cmpi eq, %iota3A, %eq3A_101 : vector<16xi32>
        %jit3A = arith.constant 0.000000e+00 : f32
        %broadcast_in_dim3A_103 = vector.broadcast %jit3A : f32 to vector<16xf32>
        %select_n3A_104 = arith.select %eq3A_102, %gather3A_92, %broadcast_in_dim3A_103 : vector<16xi1>, vector<16xf32>
        %eq3A_105 = arith.constant 1 : i32
        %eq3A_106 = vector.broadcast %eq3A_105 : i32 to vector<16xi32>
        %eq3A_107 = arith.cmpi eq, %iota3A, %eq3A_106 : vector<16xi32>
        %select_n3A_108 = arith.select %eq3A_107, %gather3A_93, %select_n3A_104 : vector<16xi1>, vector<16xf32>
        %eq3A_109 = arith.constant 2 : i32
        %eq3A_110 = vector.broadcast %eq3A_109 : i32 to vector<16xi32>
        %eq3A_111 = arith.cmpi eq, %iota3A, %eq3A_110 : vector<16xi32>
        %select_n3A_112 = arith.select %eq3A_111, %gather3A_94, %select_n3A_108 : vector<16xi1>, vector<16xf32>
        %eq3A_113 = arith.constant 3 : i32
        %eq3A_114 = vector.broadcast %eq3A_113 : i32 to vector<16xi32>
        %eq3A_115 = arith.cmpi eq, %iota3A, %eq3A_114 : vector<16xi32>
        %select_n3A_116 = arith.select %eq3A_115, %gather3A_95, %select_n3A_112 : vector<16xi1>, vector<16xf32>
        %eq3A_117 = arith.constant 4 : i32
        %eq3A_118 = vector.broadcast %eq3A_117 : i32 to vector<16xi32>
        %eq3A_119 = arith.cmpi eq, %iota3A, %eq3A_118 : vector<16xi32>
        %select_n3A_120 = arith.select %eq3A_119, %scan3A_90, %select_n3A_116 : vector<16xi1>, vector<16xf32>
        %jit3A_121 = arith.constant 0.000000e+00 : f32
        %broadcast_in_dim3A_122 = vector.broadcast %jit3A_121 : f32 to vector<16xf32>
        %select_n3A_123 = arith.select %gt3A_99, %select_n3A_120, %broadcast_in_dim3A_122 : vector<16xi1>, vector<16xf32>
        %mul3A_124 = arith.constant 16 : i32
        %mul3A_125 = arith.muli %scan3A_89, %mul3A_124 : i32
        %swap3A = arith.index_cast %mul3A_125 : i32 to index
        %swap3A_126 = tpu.vector_load %arg12[%swap3A] {strides = array<i32>} : memref<1600xf32, #tpu.memory_space<vmem>>, vector<16xf32>,
        tpu.vector_store %arg12[%swap3A], %select_n3A_123 {strides = array<i32>} : memref<1600xf32, #tpu.memory_space<vmem>>, vector<16xf32>,
        %parallel_loop3A_127 = arith.constant 0 : i32
        %parallel_loop3A_128 = arith.constant 20000 : i32
        %parallel_loop3A_129 = arith.constant 16 : i32
        %parallel_loop3A_130:2 = scf.for %parallel_loop3A_207 = %parallel_loop3A_127 to %parallel_loop3A_128 step %parallel_loop3A_129 iter_args(%parallel_loop3A_208 = %broadcast_in_dim3A_8, %parallel_loop3A_209 = %broadcast_in_dim3A_10) -> (vector<16xf32>, vector<16xi32>)  : i32 {
          %parallel_loop3A_210 = arith.index_cast %parallel_loop3A_207 : i32 to index
          %parallel_loop3A_211 = tpu.vector_load %arg6[%parallel_loop3A_210] {strides = array<i32>} : memref<20000xf32, #tpu.memory_space<vmem>>, vector<16xf32>,
          %parallel_loop3A_212 = arith.index_cast %parallel_loop3A_207 : i32 to index
          %parallel_loop3A_213 = tpu.vector_load %arg7[%parallel_loop3A_212] {strides = array<i32>} : memref<20000xf32, #tpu.memory_space<vmem>>, vector<16xf32>,
          %parallel_loop3A_214 = arith.index_cast %parallel_loop3A_207 : i32 to index
          %parallel_loop3A_215 = tpu.vector_load %arg8[%parallel_loop3A_214] {strides = array<i32>} : memref<20000xf32, #tpu.memory_space<vmem>>, vector<16xf32>,
          %parallel_loop3A_216 = arith.index_cast %parallel_loop3A_207 : i32 to index
          %parallel_loop3A_217 = tpu.vector_load %arg9[%parallel_loop3A_216] {strides = array<i32>} : memref<20000xf32, #tpu.memory_space<vmem>>, vector<16xf32>,
          %parallel_loop3A_218 = arith.index_cast %parallel_loop3A_207 : i32 to index
          %parallel_loop3A_219 = tpu.vector_load %arg10[%parallel_loop3A_218] {strides = array<i32>} : memref<20000xf32, #tpu.memory_space<vmem>>, vector<16xf32>,
          %parallel_loop3A_220 = arith.index_cast %parallel_loop3A_207 : i32 to index
          %parallel_loop3A_221 = tpu.vector_load %arg11[%parallel_loop3A_220] {strides = array<i32>} : memref<20000xf32, #tpu.memory_space<vmem>>, vector<16xf32>,
          %parallel_loop3A_222 = arith.maximumf %gather3A_92, %parallel_loop3A_211 : vector<16xf32>
          %parallel_loop3A_223 = arith.maximumf %gather3A_93, %parallel_loop3A_213 : vector<16xf32>
          %parallel_loop3A_224 = arith.minimumf %gather3A_94, %parallel_loop3A_215 : vector<16xf32>
          %parallel_loop3A_225 = arith.minimumf %gather3A_95, %parallel_loop3A_217 : vector<16xf32>
          %parallel_loop3A_226 = arith.subf %parallel_loop3A_224, %parallel_loop3A_222 : vector<16xf32>
          %parallel_loop3A_227 = arith.constant 0.000000e+00 : f32
          %parallel_loop3A_228 = vector.broadcast %parallel_loop3A_227 : f32 to vector<16xf32>
          %parallel_loop3A_229 = arith.maximumf %parallel_loop3A_226, %parallel_loop3A_228 : vector<16xf32>
          %parallel_loop3A_230 = arith.subf %parallel_loop3A_225, %parallel_loop3A_223 : vector<16xf32>
          %parallel_loop3A_231 = arith.constant 0.000000e+00 : f32
          %parallel_loop3A_232 = vector.broadcast %parallel_loop3A_231 : f32 to vector<16xf32>
          %parallel_loop3A_233 = arith.maximumf %parallel_loop3A_230, %parallel_loop3A_232 : vector<16xf32>
          %parallel_loop3A_234 = arith.mulf %parallel_loop3A_229, %parallel_loop3A_233 : vector<16xf32>
          %parallel_loop3A_235 = arith.addf %parallel_loop3A_221, %gather3A_96 : vector<16xf32>
          %parallel_loop3A_236 = arith.subf %parallel_loop3A_235, %parallel_loop3A_234 : vector<16xf32>
          %parallel_loop3A_237 = arith.constant 9.99999997E-7 : f32
          %parallel_loop3A_238 = vector.broadcast %parallel_loop3A_237 : f32 to vector<16xf32>
          %parallel_loop3A_239 = arith.addf %parallel_loop3A_236, %parallel_loop3A_238 : vector<16xf32>
          %parallel_loop3A_240 = arith.divf %parallel_loop3A_234, %parallel_loop3A_239 : vector<16xf32>
          %parallel_loop3A_241 = arith.constant 5.000000e-01 : f32
          %parallel_loop3A_242 = vector.broadcast %parallel_loop3A_241 : f32 to vector<16xf32>
          %parallel_loop3A_243 = arith.cmpf ogt, %parallel_loop3A_240, %parallel_loop3A_242 : vector<16xf32>
          %parallel_loop3A_244 = arith.select %parallel_loop3A_243, %broadcast_in_dim3A_6, %parallel_loop3A_219 : vector<16xi1>, vector<16xf32>
          %parallel_loop3A_245 = arith.index_cast %parallel_loop3A_207 : i32 to index
          %parallel_loop3A_246 = tpu.vector_load %arg10[%parallel_loop3A_245] {strides = array<i32>} : memref<20000xf32, #tpu.memory_space<vmem>>, vector<16xf32>,
          tpu.vector_store %arg10[%parallel_loop3A_245], %parallel_loop3A_244 {strides = array<i32>} : memref<20000xf32, #tpu.memory_space<vmem>>, vector<16xf32>,
          %parallel_loop3A_247 = vector.broadcast %parallel_loop3A_207 : i32 to vector<16xi32>
          %parallel_loop3A_248 = arith.addi %iota3A, %parallel_loop3A_247 : vector<16xi32>
          %parallel_loop3A_249 = arith.cmpf ogt, %parallel_loop3A_244, %parallel_loop3A_208 : vector<16xf32>
          %parallel_loop3A_250 = arith.select %parallel_loop3A_249, %parallel_loop3A_244, %parallel_loop3A_208 : vector<16xi1>, vector<16xf32>
          %parallel_loop3A_251 = arith.select %parallel_loop3A_249, %parallel_loop3A_248, %parallel_loop3A_209 : vector<16xi1>, vector<16xi32>
          scf.yield %parallel_loop3A_250, %parallel_loop3A_251 : vector<16xf32>, vector<16xi32>
        } {sc.loop_unroll_factor = 5 : i64, sc.parallel_access}
        %add3A_131 = arith.constant 8 : i32
        %add3A_132 = vector.broadcast %add3A_131 : i32 to vector<16xi32>
        %add3A_133 = arith.addi %iota3A, %add3A_132 : vector<16xi32>
        %and3A_134 = arith.constant 15 : i32
        %and3A_135 = vector.broadcast %and3A_134 : i32 to vector<16xi32>
        %and3A_136 = arith.andi %add3A_133, %and3A_135 : vector<16xi32>
        %broadcast_in_dim3A_137 = vector.shape_cast %and3A_136 : vector<16xi32> to vector<16x1xi32>
        %gather3A_138 = vector.shape_cast %broadcast_in_dim3A_137 : vector<16x1xi32> to vector<16xi32>
        %gather3A_139 = tpu.dynamic_gather %parallel_loop3A_130#0[%gather3A_138] in [0] : vector<16xf32>, vector<16xi32> -> vector<16xf32>
        %broadcast_in_dim3A_140 = vector.shape_cast %and3A_136 : vector<16xi32> to vector<16x1xi32>
        %gather3A_141 = vector.shape_cast %broadcast_in_dim3A_140 : vector<16x1xi32> to vector<16xi32>
        %gather3A_142 = tpu.dynamic_gather %parallel_loop3A_130#1[%gather3A_141] in [0] : vector<16xi32>, vector<16xi32> -> vector<16xi32>
        %gt3A_143 = arith.cmpf ogt, %gather3A_139, %parallel_loop3A_130#0 : vector<16xf32>
        %eq3A_144 = arith.cmpf oeq, %gather3A_139, %parallel_loop3A_130#0 : vector<16xf32>
        %lt3A_145 = arith.cmpi slt, %gather3A_142, %parallel_loop3A_130#1 : vector<16xi32>
        %and3A_146 = arith.andi %eq3A_144, %lt3A_145 : vector<16xi1>
        %or3A_147 = arith.ori %gt3A_143, %and3A_146 : vector<16xi1>
        %select_n3A_148 = arith.select %or3A_147, %gather3A_139, %parallel_loop3A_130#0 : vector<16xi1>, vector<16xf32>
        %select_n3A_149 = arith.select %or3A_147, %gather3A_142, %parallel_loop3A_130#1 : vector<16xi1>, vector<16xi32>
        %add3A_150 = arith.constant 4 : i32
        %add3A_151 = vector.broadcast %add3A_150 : i32 to vector<16xi32>
        %add3A_152 = arith.addi %iota3A, %add3A_151 : vector<16xi32>
        %and3A_153 = arith.constant 15 : i32
        %and3A_154 = vector.broadcast %and3A_153 : i32 to vector<16xi32>
        %and3A_155 = arith.andi %add3A_152, %and3A_154 : vector<16xi32>
        %broadcast_in_dim3A_156 = vector.shape_cast %and3A_155 : vector<16xi32> to vector<16x1xi32>
        %gather3A_157 = vector.shape_cast %broadcast_in_dim3A_156 : vector<16x1xi32> to vector<16xi32>
        %gather3A_158 = tpu.dynamic_gather %select_n3A_148[%gather3A_157] in [0] : vector<16xf32>, vector<16xi32> -> vector<16xf32>
        %broadcast_in_dim3A_159 = vector.shape_cast %and3A_155 : vector<16xi32> to vector<16x1xi32>
        %gather3A_160 = vector.shape_cast %broadcast_in_dim3A_159 : vector<16x1xi32> to vector<16xi32>
        %gather3A_161 = tpu.dynamic_gather %select_n3A_149[%gather3A_160] in [0] : vector<16xi32>, vector<16xi32> -> vector<16xi32>
        %gt3A_162 = arith.cmpf ogt, %gather3A_158, %select_n3A_148 : vector<16xf32>
        %eq3A_163 = arith.cmpf oeq, %gather3A_158, %select_n3A_148 : vector<16xf32>
        %lt3A_164 = arith.cmpi slt, %gather3A_161, %select_n3A_149 : vector<16xi32>
        %and3A_165 = arith.andi %eq3A_163, %lt3A_164 : vector<16xi1>
        %or3A_166 = arith.ori %gt3A_162, %and3A_165 : vector<16xi1>
        %select_n3A_167 = arith.select %or3A_166, %gather3A_158, %select_n3A_148 : vector<16xi1>, vector<16xf32>
        %select_n3A_168 = arith.select %or3A_166, %gather3A_161, %select_n3A_149 : vector<16xi1>, vector<16xi32>
        %add3A_169 = arith.constant 2 : i32
        %add3A_170 = vector.broadcast %add3A_169 : i32 to vector<16xi32>
        %add3A_171 = arith.addi %iota3A, %add3A_170 : vector<16xi32>
        %and3A_172 = arith.constant 15 : i32
        %and3A_173 = vector.broadcast %and3A_172 : i32 to vector<16xi32>
        %and3A_174 = arith.andi %add3A_171, %and3A_173 : vector<16xi32>
        %broadcast_in_dim3A_175 = vector.shape_cast %and3A_174 : vector<16xi32> to vector<16x1xi32>
        %gather3A_176 = vector.shape_cast %broadcast_in_dim3A_175 : vector<16x1xi32> to vector<16xi32>
        %gather3A_177 = tpu.dynamic_gather %select_n3A_167[%gather3A_176] in [0] : vector<16xf32>, vector<16xi32> -> vector<16xf32>
        %broadcast_in_dim3A_178 = vector.shape_cast %and3A_174 : vector<16xi32> to vector<16x1xi32>
        %gather3A_179 = vector.shape_cast %broadcast_in_dim3A_178 : vector<16x1xi32> to vector<16xi32>
        %gather3A_180 = tpu.dynamic_gather %select_n3A_168[%gather3A_179] in [0] : vector<16xi32>, vector<16xi32> -> vector<16xi32>
        %gt3A_181 = arith.cmpf ogt, %gather3A_177, %select_n3A_167 : vector<16xf32>
        %eq3A_182 = arith.cmpf oeq, %gather3A_177, %select_n3A_167 : vector<16xf32>
        %lt3A_183 = arith.cmpi slt, %gather3A_180, %select_n3A_168 : vector<16xi32>
        %and3A_184 = arith.andi %eq3A_182, %lt3A_183 : vector<16xi1>
        %or3A_185 = arith.ori %gt3A_181, %and3A_184 : vector<16xi1>
        %select_n3A_186 = arith.select %or3A_185, %gather3A_177, %select_n3A_167 : vector<16xi1>, vector<16xf32>
        %select_n3A_187 = arith.select %or3A_185, %gather3A_180, %select_n3A_168 : vector<16xi1>, vector<16xi32>
        %add3A_188 = arith.constant 1 : i32
        %add3A_189 = vector.broadcast %add3A_188 : i32 to vector<16xi32>
        %add3A_190 = arith.addi %iota3A, %add3A_189 : vector<16xi32>
        %and3A_191 = arith.constant 15 : i32
        %and3A_192 = vector.broadcast %and3A_191 : i32 to vector<16xi32>
        %and3A_193 = arith.andi %add3A_190, %and3A_192 : vector<16xi32>
        %broadcast_in_dim3A_194 = vector.shape_cast %and3A_193 : vector<16xi32> to vector<16x1xi32>
        %gather3A_195 = vector.shape_cast %broadcast_in_dim3A_194 : vector<16x1xi32> to vector<16xi32>
        %gather3A_196 = tpu.dynamic_gather %select_n3A_186[%gather3A_195] in [0] : vector<16xf32>, vector<16xi32> -> vector<16xf32>
        %broadcast_in_dim3A_197 = vector.shape_cast %and3A_193 : vector<16xi32> to vector<16x1xi32>
        %gather3A_198 = vector.shape_cast %broadcast_in_dim3A_197 : vector<16x1xi32> to vector<16xi32>
        %gather3A_199 = tpu.dynamic_gather %select_n3A_187[%gather3A_198] in [0] : vector<16xi32>, vector<16xi32> -> vector<16xi32>
        %gt3A_200 = arith.cmpf ogt, %gather3A_196, %select_n3A_186 : vector<16xf32>
        %eq3A_201 = arith.cmpf oeq, %gather3A_196, %select_n3A_186 : vector<16xf32>
        %lt3A_202 = arith.cmpi slt, %gather3A_199, %select_n3A_187 : vector<16xi32>
        %and3A_203 = arith.andi %eq3A_201, %lt3A_202 : vector<16xi1>
        %or3A_204 = arith.ori %gt3A_200, %and3A_203 : vector<16xi1>
        %select_n3A_205 = arith.select %or3A_204, %gather3A_196, %select_n3A_186 : vector<16xi1>, vector<16xf32>
        %select_n3A_206 = arith.select %or3A_204, %gather3A_199, %select_n3A_187 : vector<16xi1>, vector<16xi32>
        scf.yield %select_n3A_205, %select_n3A_206 : vector<16xf32>, vector<16xi32>
      }
      %scan3A_88 = arith.constant 100 : i32
      "tpu.region"() ({
        %run_scoped3A_89 = tpu.sem_alloc : memref<!tpu.dma_semaphore, #tpu.memory_space<semaphore_mem>>
        %dma_start3A = arith.constant 0 : i32
        %dma_start3A_90 = tpu.memref_slice %arg5[%add3A, %dma_start3A] : memref<8x1600xf32, #tpu.memory_space<hbm>> -> memref<1x1600xf32, #tpu.memory_space<hbm>>
        %dma_start3A_91 = tpu.memref_squeeze %dma_start3A_90 : memref<1x1600xf32, #tpu.memory_space<hbm>> -> memref<1600xf32, #tpu.memory_space<hbm>>
        %dma_start3A_92 = arith.constant 0 : i32
        %dma_start3A_93 = tpu.memref_slice %arg5[%add3A, %dma_start3A_92] : memref<8x1600xf32, #tpu.memory_space<hbm>> -> memref<1x1600xf32, #tpu.memory_space<hbm>>
        %dma_start3A_94 = tpu.memref_squeeze %dma_start3A_93 : memref<1x1600xf32, #tpu.memory_space<hbm>> -> memref<1600xf32, #tpu.memory_space<hbm>>
        tpu.enqueue_dma source(%arg12 : memref<1600xf32, #tpu.memory_space<vmem>>) target(%dma_start3A_94 : memref<1600xf32, #tpu.memory_space<hbm>>) target_semaphore(%run_scoped3A_89 : memref<!tpu.dma_semaphore, #tpu.memory_space<semaphore_mem>>)
        %dma_wait3A = arith.constant 0 : i32
        %dma_wait3A_95 = tpu.memref_slice %arg5[%add3A, %dma_wait3A] : memref<8x1600xf32, #tpu.memory_space<hbm>> -> memref<1x1600xf32, #tpu.memory_space<hbm>>
        %dma_wait3A_96 = tpu.memref_squeeze %dma_wait3A_95 : memref<1x1600xf32, #tpu.memory_space<hbm>> -> memref<1600xf32, #tpu.memory_space<hbm>>
        %dma_wait3A_97 = arith.constant 0 : i32
        %dma_wait3A_98 = tpu.memref_slice %arg5[%add3A, %dma_wait3A_97] : memref<8x1600xf32, #tpu.memory_space<hbm>> -> memref<1x1600xf32, #tpu.memory_space<hbm>>
        %dma_wait3A_99 = tpu.memref_squeeze %dma_wait3A_98 : memref<1x1600xf32, #tpu.memory_space<hbm>> -> memref<1600xf32, #tpu.memory_space<hbm>>
        tpu.wait_dma2 semaphore(%run_scoped3A_89 : memref<!tpu.dma_semaphore, #tpu.memory_space<semaphore_mem>>) src(%arg12 : memref<1600xf32, #tpu.memory_space<vmem>>) dst(%dma_wait3A_99 : memref<1600xf32, #tpu.memory_space<hbm>>)
        tpu.yield
      }) : () -> ()
    } else {
    }
    return
  }
}

module attributes {stable_mosaic.version = 14 : i64} {
  func.func @_decode_body(%arg0: memref<4x8x20000xf32, #tpu.memory_space<vmem>>, %arg1: memref<8x20000xf32, #tpu.memory_space<vmem>>, %arg2: memref<4x1x20000xf32, #tpu.memory_space<vmem>>, %arg3: memref<4x8x20000xf32, #tpu.memory_space<vmem>>, %arg4: memref<8x20000xf32, #tpu.memory_space<vmem>>, %arg5: memref<8x20000xf32, #tpu.memory_space<vmem>>) attributes {dimension_semantics = [], scalar_prefetch = 0 : i64, scratch_operands = 0 : i64, tpu.core_type = #tpu.core_type<tc>} {
    %get3A = arith.constant 0 : index
    %get3A_0 = arith.constant 0 : index
    %get3A_1 = arith.constant 0 : index
    %get3A_2 = vector.load %arg0[%get3A, %get3A_0, %get3A_1] : memref<4x8x20000xf32, #tpu.memory_space<vmem>>, vector<1x8x20000xf32>
    %get3A_3 = vector.shape_cast %get3A_2 : vector<1x8x20000xf32> to vector<8x20000xf32>
    %get3A_4 = arith.constant 1 : index
    %get3A_5 = arith.constant 0 : index
    %get3A_6 = arith.constant 0 : index
    %get3A_7 = vector.load %arg0[%get3A_4, %get3A_5, %get3A_6] : memref<4x8x20000xf32, #tpu.memory_space<vmem>>, vector<1x8x20000xf32>
    %get3A_8 = vector.shape_cast %get3A_7 : vector<1x8x20000xf32> to vector<8x20000xf32>
    %get3A_9 = arith.constant 2 : index
    %get3A_10 = arith.constant 0 : index
    %get3A_11 = arith.constant 0 : index
    %get3A_12 = vector.load %arg0[%get3A_9, %get3A_10, %get3A_11] : memref<4x8x20000xf32, #tpu.memory_space<vmem>>, vector<1x8x20000xf32>
    %get3A_13 = vector.shape_cast %get3A_12 : vector<1x8x20000xf32> to vector<8x20000xf32>
    %get3A_14 = arith.constant 3 : index
    %get3A_15 = arith.constant 0 : index
    %get3A_16 = arith.constant 0 : index
    %get3A_17 = vector.load %arg0[%get3A_14, %get3A_15, %get3A_16] : memref<4x8x20000xf32, #tpu.memory_space<vmem>>, vector<1x8x20000xf32>
    %get3A_18 = vector.shape_cast %get3A_17 : vector<1x8x20000xf32> to vector<8x20000xf32>
    %get3A_19 = arith.constant 0 : index
    %get3A_20 = arith.constant 0 : index
    %get3A_21 = arith.constant 0 : index
    %get3A_22 = vector.load %arg2[%get3A_19, %get3A_20, %get3A_21] : memref<4x1x20000xf32, #tpu.memory_space<vmem>>, vector<1x1x20000xf32>
    %get3A_23 = vector.shape_cast %get3A_22 : vector<1x1x20000xf32> to vector<1x20000xf32>
    %get3A_24 = arith.constant 1 : index
    %get3A_25 = arith.constant 0 : index
    %get3A_26 = arith.constant 0 : index
    %get3A_27 = vector.load %arg2[%get3A_24, %get3A_25, %get3A_26] : memref<4x1x20000xf32, #tpu.memory_space<vmem>>, vector<1x1x20000xf32>
    %get3A_28 = vector.shape_cast %get3A_27 : vector<1x1x20000xf32> to vector<1x20000xf32>
    %get3A_29 = arith.constant 2 : index
    %get3A_30 = arith.constant 0 : index
    %get3A_31 = arith.constant 0 : index
    %get3A_32 = vector.load %arg2[%get3A_29, %get3A_30, %get3A_31] : memref<4x1x20000xf32, #tpu.memory_space<vmem>>, vector<1x1x20000xf32>
    %get3A_33 = vector.shape_cast %get3A_32 : vector<1x1x20000xf32> to vector<1x20000xf32>
    %get3A_34 = arith.constant 3 : index
    %get3A_35 = arith.constant 0 : index
    %get3A_36 = arith.constant 0 : index
    %get3A_37 = vector.load %arg2[%get3A_34, %get3A_35, %get3A_36] : memref<4x1x20000xf32, #tpu.memory_space<vmem>>, vector<1x1x20000xf32>
    %get3A_38 = vector.shape_cast %get3A_37 : vector<1x1x20000xf32> to vector<1x20000xf32>
    %mul3A = vector.broadcast %get3A_33 : vector<1x20000xf32> to vector<8x20000xf32>
    %mul3A_39 = arith.mulf %get3A_3, %mul3A : vector<8x20000xf32>
    %add3A = vector.broadcast %get3A_23 : vector<1x20000xf32> to vector<8x20000xf32>
    %add3A_40 = arith.addf %add3A, %mul3A_39 : vector<8x20000xf32>
    %mul3A_41 = vector.broadcast %get3A_38 : vector<1x20000xf32> to vector<8x20000xf32>
    %mul3A_42 = arith.mulf %get3A_8, %mul3A_41 : vector<8x20000xf32>
    %add3A_43 = vector.broadcast %get3A_28 : vector<1x20000xf32> to vector<8x20000xf32>
    %add3A_44 = arith.addf %add3A_43, %mul3A_42 : vector<8x20000xf32>
    %jit3A = arith.constant -4.000000e+00 : f32
    %jit3A_45 = arith.constant 4.000000e+00 : f32
    %max3A = vector.broadcast %jit3A : f32 to vector<8x20000xf32>
    %max3A_46 = arith.maximumf %max3A, %get3A_13 : vector<8x20000xf32>
    %min3A = vector.broadcast %jit3A_45 : f32 to vector<8x20000xf32>
    %min3A_47 = arith.minimumf %min3A, %max3A_46 : vector<8x20000xf32>
    %exp3A = math.exp %min3A_47 : vector<8x20000xf32>
    %mul3A_48 = vector.broadcast %get3A_33 : vector<1x20000xf32> to vector<8x20000xf32>
    %mul3A_49 = arith.mulf %mul3A_48, %exp3A : vector<8x20000xf32>
    %jit3A_50 = arith.constant -4.000000e+00 : f32
    %jit3A_51 = arith.constant 4.000000e+00 : f32
    %max3A_52 = vector.broadcast %jit3A_50 : f32 to vector<8x20000xf32>
    %max3A_53 = arith.maximumf %max3A_52, %get3A_18 : vector<8x20000xf32>
    %min3A_54 = vector.broadcast %jit3A_51 : f32 to vector<8x20000xf32>
    %min3A_55 = arith.minimumf %min3A_54, %max3A_53 : vector<8x20000xf32>
    %exp3A_56 = math.exp %min3A_55 : vector<8x20000xf32>
    %mul3A_57 = vector.broadcast %get3A_38 : vector<1x20000xf32> to vector<8x20000xf32>
    %mul3A_58 = arith.mulf %mul3A_57, %exp3A_56 : vector<8x20000xf32>
    %div3A = arith.constant 2.000000e+00 : f32
    %div3A_59 = vector.broadcast %div3A : f32 to vector<8x20000xf32>
    %div3A_60 = arith.divf %mul3A_49, %div3A_59 : vector<8x20000xf32>
    %sub3A = arith.subf %add3A_40, %div3A_60 : vector<8x20000xf32>
    %div3A_61 = arith.constant 2.000000e+00 : f32
    %div3A_62 = vector.broadcast %div3A_61 : f32 to vector<8x20000xf32>
    %div3A_63 = arith.divf %mul3A_58, %div3A_62 : vector<8x20000xf32>
    %sub3A_64 = arith.subf %add3A_44, %div3A_63 : vector<8x20000xf32>
    %div3A_65 = arith.constant 2.000000e+00 : f32
    %div3A_66 = vector.broadcast %div3A_65 : f32 to vector<8x20000xf32>
    %div3A_67 = arith.divf %mul3A_49, %div3A_66 : vector<8x20000xf32>
    %add3A_68 = arith.addf %add3A_40, %div3A_67 : vector<8x20000xf32>
    %div3A_69 = arith.constant 2.000000e+00 : f32
    %div3A_70 = vector.broadcast %div3A_69 : f32 to vector<8x20000xf32>
    %div3A_71 = arith.divf %mul3A_58, %div3A_70 : vector<8x20000xf32>
    %add3A_72 = arith.addf %add3A_44, %div3A_71 : vector<8x20000xf32>
    %swap3A = arith.constant 0 : index
    %swap3A_73 = arith.constant 0 : index
    %swap3A_74 = arith.constant 0 : index
    %swap3A_75 = vector.load %arg3[%swap3A, %swap3A_73, %swap3A_74] : memref<4x8x20000xf32, #tpu.memory_space<vmem>>, vector<1x8x20000xf32>
    %swap3A_76 = vector.shape_cast %swap3A_75 : vector<1x8x20000xf32> to vector<8x20000xf32>
    %swap3A_77 = vector.shape_cast %sub3A : vector<8x20000xf32> to vector<1x8x20000xf32>
    tpu.vector_store %arg3[%swap3A, %swap3A_73, %swap3A_74], %swap3A_77 {strides = array<i32>} : memref<4x8x20000xf32, #tpu.memory_space<vmem>>, vector<1x8x20000xf32>,
    %swap3A_78 = arith.constant 1 : index
    %swap3A_79 = arith.constant 0 : index
    %swap3A_80 = arith.constant 0 : index
    %swap3A_81 = vector.load %arg3[%swap3A_78, %swap3A_79, %swap3A_80] : memref<4x8x20000xf32, #tpu.memory_space<vmem>>, vector<1x8x20000xf32>
    %swap3A_82 = vector.shape_cast %swap3A_81 : vector<1x8x20000xf32> to vector<8x20000xf32>
    %swap3A_83 = vector.shape_cast %sub3A_64 : vector<8x20000xf32> to vector<1x8x20000xf32>
    tpu.vector_store %arg3[%swap3A_78, %swap3A_79, %swap3A_80], %swap3A_83 {strides = array<i32>} : memref<4x8x20000xf32, #tpu.memory_space<vmem>>, vector<1x8x20000xf32>,
    %swap3A_84 = arith.constant 2 : index
    %swap3A_85 = arith.constant 0 : index
    %swap3A_86 = arith.constant 0 : index
    %swap3A_87 = vector.load %arg3[%swap3A_84, %swap3A_85, %swap3A_86] : memref<4x8x20000xf32, #tpu.memory_space<vmem>>, vector<1x8x20000xf32>
    %swap3A_88 = vector.shape_cast %swap3A_87 : vector<1x8x20000xf32> to vector<8x20000xf32>
    %swap3A_89 = vector.shape_cast %add3A_68 : vector<8x20000xf32> to vector<1x8x20000xf32>
    tpu.vector_store %arg3[%swap3A_84, %swap3A_85, %swap3A_86], %swap3A_89 {strides = array<i32>} : memref<4x8x20000xf32, #tpu.memory_space<vmem>>, vector<1x8x20000xf32>,
    %swap3A_90 = arith.constant 3 : index
    %swap3A_91 = arith.constant 0 : index
    %swap3A_92 = arith.constant 0 : index
    %swap3A_93 = vector.load %arg3[%swap3A_90, %swap3A_91, %swap3A_92] : memref<4x8x20000xf32, #tpu.memory_space<vmem>>, vector<1x8x20000xf32>
    %swap3A_94 = vector.shape_cast %swap3A_93 : vector<1x8x20000xf32> to vector<8x20000xf32>
    %swap3A_95 = vector.shape_cast %add3A_72 : vector<8x20000xf32> to vector<1x8x20000xf32>
    tpu.vector_store %arg3[%swap3A_90, %swap3A_91, %swap3A_92], %swap3A_95 {strides = array<i32>} : memref<4x8x20000xf32, #tpu.memory_space<vmem>>, vector<1x8x20000xf32>,
    %sub3A_96 = arith.subf %add3A_68, %sub3A : vector<8x20000xf32>
    %sub3A_97 = arith.subf %add3A_72, %sub3A_64 : vector<8x20000xf32>
    %mul3A_98 = arith.mulf %sub3A_96, %sub3A_97 : vector<8x20000xf32>
    %swap3A_99 = arith.constant 0 : index
    %swap3A_100 = arith.constant 0 : index
    %swap3A_101 = vector.load %arg5[%swap3A_99, %swap3A_100] : memref<8x20000xf32, #tpu.memory_space<vmem>>, vector<8x20000xf32>
    tpu.vector_store %arg5[%swap3A_99, %swap3A_100], %mul3A_98 {strides = array<i32>} : memref<8x20000xf32, #tpu.memory_space<vmem>>, vector<8x20000xf32>,
    %get3A_102 = arith.constant 0 : index
    %get3A_103 = arith.constant 0 : index
    %get3A_104 = vector.load %arg1[%get3A_102, %get3A_103] : memref<8x20000xf32, #tpu.memory_space<vmem>>, vector<8x20000xf32>
    %logistic3A = arith.negf %get3A_104 : vector<8x20000xf32>
    %logistic3A_105 = math.exp %logistic3A : vector<8x20000xf32>
    %logistic3A_106 = arith.constant 1.000000e+00 : f32
    %logistic3A_107 = vector.broadcast %logistic3A_106 : f32 to vector<8x20000xf32>
    %logistic3A_108 = arith.addf %logistic3A_107, %logistic3A_105 : vector<8x20000xf32>
    %logistic3A_109 = arith.divf %logistic3A_107, %logistic3A_108 : vector<8x20000xf32>
    %gt3A = arith.constant 3.000000e-01 : f32
    %gt3A_110 = vector.broadcast %gt3A : f32 to vector<8x20000xf32>
    %gt3A_111 = arith.cmpf ogt, %logistic3A_109, %gt3A_110 : vector<8x20000xf32>
    %jit3A_112 = arith.constant -1.000000e+09 : f32
    %broadcast_in_dim3A = vector.broadcast %jit3A_112 : f32 to vector<8x20000xf32>
    %select_n3A = arith.select %gt3A_111, %logistic3A_109, %broadcast_in_dim3A : vector<8x20000xi1>, vector<8x20000xf32>
    %swap3A_113 = arith.constant 0 : index
    %swap3A_114 = arith.constant 0 : index
    %swap3A_115 = vector.load %arg4[%swap3A_113, %swap3A_114] : memref<8x20000xf32, #tpu.memory_space<vmem>>, vector<8x20000xf32>
    tpu.vector_store %arg4[%swap3A_113, %swap3A_114], %select_n3A {strides = array<i32>} : memref<8x20000xf32, #tpu.memory_space<vmem>>, vector<8x20000xf32>,
    return
  }
}

</mosaic_0001>

<sc_bundles>
// kernel: kernel.4.cloned.1.call-start
scs
__scs_entry_jumppad:
0x0: {  	(pc) =	sbr.rel $0x88, $3  }
0x1: {  	(tag) =	ssettag $0x0;
	lr =	simm.s32 $0x1  }
0x2: {  	[smem:$0x3F9E] =	sst lr;
	_ =	strace $0xD0000000  }
0x3: {  	_ = 	snop  }
0x4: {  	_ = 	snop  }
0x5: {  	_ = 	snop  }
0x6: {  	_ = 	snop  }
0x7: {  	_ = 	snop  }
__scs_overlays_trampoline_lowered:
0x8: {  	[smem:$0x3FAD] =	sst s0  }
0x9: {  	[smem:$0x3FAE] =	sst s1  }
0xa: {  	[smem:$0x3FAF] =	sst s2  }
0xb: {  	[smem:$0x3FB0] =	sst s3  }
0xc: {  	[smem:$0x3FB1] =	sst s4  }
0xd: {  	[smem:$0x3FB2] =	sst s5  }
0xe: {  	[smem:$0x3FB3] =	sst s6  }
0xf: {  	[smem:$0x3FB4] =	sst s7  }
0x10: {  	[smem:$0x3FB5] =	sst s8  }
0x11: {  	[smem:$0x3FB6] =	sst s9;
	s0 =	simm.s32 @!p0 $0x0  }
0x12: {  	s1 =	sld [smem:$0x3F9C];
	s0 =	simm.s32 @p0 $0x1  }
0x13: {  	[smem:$0x3FB7] =	sst s0;
	s0 =	simm.s32 @!p1 $0x0  }
0x14: {  	s2 =	sld [smem:$0x3F9B];
	s0 =	simm.s32 @p1 $0x1  }
0x15: {  	[smem:$0x3FB8] =	sst s0;
	s0 =	simm.s32 @!p2 $0x0  }
0x16: {  	s3 =	sld [smem:$0x3FDB];
	s0 =	simm.s32 @p2 $0x1  }
0x17: {  	s4 =	simm.s32 $0x1BF5;
	[smem:$0x3FBA] =	sst s0  }
0x18: {  	s0 =	sld [smem:$0x3F9D];
	_ =	swait.ge [sflag:s4], $0x0  }
0x19: {  	s7 =	sld [smem:$0x3F9E]  }
0x1a: {  	s8 =	sadd.s32 $0xFFFFE003, lr  }
0x1b: {  	s9 =	sadd.s32 $0xFFFFFEF7, lr;
	s5 =	simm.s32 $0xFFFFFFFF;
	p2 =	slt.u32 s8, $0xFFFFF086  }
0x1c: {  	p1 =	slt.u32 s9, $0xF7A;
	s5 =	simm.s32 @!p2 $0x0  }
0x1d: {  	s5 =	simm.s32 @p1 $0x1;
	p0 =	seq.s32 s7, s2  }
0x1e: {  	s7 =	smul.u32 @!p0 $0xF7A, s2;
	p2 =	seq.s32 @!p0 s5, $0x0  }
0x1f: {  	s9 =	smul.u32 $0xF7A, s1;
	s8 =	simm.s32 @!p0 $0x1BF5;
	p2 =	por !p2, p0  }
0x20: {  	[sflag:s8] =	ssyncset.s32 @!p0 $0xFFFFF086;
	s6 =	sadd.s32 @!p0 s3, s7;
	s7 =	simm.s32 @!p0 $0x108  }
0x21: {  	s3 =	sadd.s32 s3, s9;
	s6 =	sadd.s32 @!p0 $0x88, s6;
	s7 =	simm.s32 @p2 $0x1082  }
0x22: {  	[simem:s7], [sflag:s8] =	dma.local @!p0 [hbm:s6], $0xF7A  }
0x23: {  	s9 =	sor.u32 $0xD0000000, s2;
	s6 =	simm.s32 $0x108;
	_ =	swait.ge @!p0 [sflag:s8], $0x0  }
0x24: {  	s3 =	sadd.s32 $0x88, s3;
	s6 =	simm.s32 @!p1 $0x1082;
	[sflag:s4] =	ssyncset.s32 $0xFFFFF086  }
0x25: {  	[simem:s6], [sflag:s4] =	dma.local [hbm:s3], $0xF7A  }
0x26: {  	[smem:$0x3F9E] =	sst s1;
	(tag) =	ssettag s2;
	_ =	strace s9  }
0x27: {  	s1 =	sld [smem:$0x3FAE]  }
0x28: {  	s2 =	sld [smem:$0x3FAF]  }
0x29: {  	s4 =	sld [smem:$0x3FB1]  }
0x2a: {  	p0 =	seq.s32 s5, $0x0;
	s5 =	sld [smem:$0x3FB2]  }
0x2b: {  	s6 =	sld [smem:$0x3FB3]  }
0x2c: {  	s7 =	sld [smem:$0x3FB4]  }
0x2d: {  	s3 =	simm.s32 $0x108;
	s8 =	sld [smem:$0x3FB5]  }
0x2e: {  	s3 =	simm.s32 @!p0 $0x1082;
	s9 =	sld [smem:$0x3FB6]  }
0x2f: {  	lr =	sadd.s32 s0, s3;
	s0 =	sld [smem:$0x3FAD]  }
0x30: {  	s3 =	sld [smem:$0x3FB0]  }
0x31: {  	[smem:$0x3FB9] =	sst s10  }
0x32: {  	s10 =	sld [smem:$0x3FB7];
	_ =	sdelay $0x3  }
0x33: {  	p0 =	seq.s32 s10, $0x1;
	s10 =	sld [smem:$0x3FB9];
	_ =	sdelay $0x3  }
0x34: {  	[smem:$0x3FB9] =	sst s10  }
0x35: {  	s10 =	sld [smem:$0x3FB8];
	_ =	sdelay $0x3  }
0x36: {  	p1 =	seq.s32 s10, $0x1;
	s10 =	sld [smem:$0x3FB9];
	_ =	sdelay $0x3  }
0x37: {  	[smem:$0x3FB9] =	sst s10  }
0x38: {  	s10 =	sld [smem:$0x3FBA]  }
0x39: {  	_ = 	snop;
	(pc) =	sbr.ind lr, $3  }
0x3a: {  	_ = 	snop  }
0x3b: {  	_ = 	snop  }
0x3c: {  	p2 =	seq.s32 s10, $0x1;
	s10 =	sld [smem:$0x3FB9]  }
0x3d: {  	_ =	shalt  }
0x3e: {  	_ =	shalt  }
0x3f: {  	_ =	shalt  }
0x40: {  	_ =	shalt  }
0x41: {  	_ =	shalt  }
0x42: {  	_ =	shalt  }
0x43: {  	_ =	shalt  }
0x44: {  	_ =	shalt  }
0x45: {  	_ =	shalt  }
0x46: {  	_ =	shalt  }
0x47: {  	_ =	shalt  }
0x48: {  	_ =	shalt  }
0x49: {  	_ =	shalt  }
0x4a: {  	_ =	shalt  }
0x4b: {  	_ =	shalt  }
0x4c: {  	_ =	shalt  }
0x4d: {  	_ =	shalt  }
0x4e: {  	_ =	shalt  }
0x4f: {  	_ =	shalt  }
0x50: {  	_ =	shalt  }
0x51: {  	_ =	shalt  }
0x52: {  	_ =	shalt  }
0x53: {  	_ =	shalt  }
0x54: {  	_ =	shalt  }
0x55: {  	_ =	shalt  }
0x56: {  	_ =	shalt  }
0x57: {  	_ =	shalt  }
0x58: {  	_ =	shalt  }
0x59: {  	_ =	shalt  }
0x5a: {  	_ =	shalt  }
0x5b: {  	_ =	shalt  }
0x5c: {  	_ =	shalt  }
0x5d: {  	_ =	shalt  }
0x5e: {  	_ =	shalt  }
0x5f: {  	_ =	shalt  }
0x60: {  	_ =	shalt  }
0x61: {  	_ =	shalt  }
0x62: {  	_ =	shalt  }
0x63: {  	_ =	shalt  }
0x64: {  	_ =	shalt  }
0x65: {  	_ =	shalt  }
0x66: {  	_ =	shalt  }
0x67: {  	_ =	shalt  }
0x68: {  	_ =	shalt  }
0x69: {  	_ =	shalt  }
0x6a: {  	_ =	shalt  }
0x6b: {  	_ =	shalt  }
0x6c: {  	_ =	shalt  }
0x6d: {  	_ =	shalt  }
0x6e: {  	_ =	shalt  }
0x6f: {  	_ =	shalt  }
0x70: {  	_ =	shalt  }
0x71: {  	_ =	shalt  }
0x72: {  	_ =	shalt  }
0x73: {  	_ =	shalt  }
0x74: {  	_ =	shalt  }
0x75: {  	_ =	shalt  }
0x76: {  	_ =	shalt  }
0x77: {  	_ =	shalt  }
0x78: {  	_ =	shalt  }
0x79: {  	_ =	shalt  }
0x7a: {  	_ =	shalt  }
0x7b: {  	_ =	shalt  }
0x7c: {  	_ =	shalt  }
0x7d: {  	_ =	shalt  }
0x7e: {  	_ =	shalt  }
0x7f: {  	_ =	shalt  }
0x80: {  	_ =	shalt  }
0x81: {  	_ =	shalt  }
0x82: {  	_ =	shalt  }
0x83: {  	_ =	shalt  }
0x84: {  	_ =	shalt  }
0x85: {  	_ =	shalt  }
0x86: {  	_ =	shalt  }
0x87: {  	_ =	shalt  }
.Lfunc_end0:
.L_simem_size_0:
called_computation_lowered:
.L_overlay_start_0:
0x88: {  	s2 =	sld [smem:$0x3FD9]  }
0x89: {  	s3 =	sld [smem:$0x3FFE];
	_ =	sdelay $0x1  }
0x8a: {  	s1 =	srdreg.scid  }
0x8b: {  	s0 =	sand.u32 $0x1, s1  }
0x8c: {  	s16 =	sshll.u32 s0, $0xA;
	s2 =	sadd.s32 s3, s2  }
0x8d: {  	s2 =	sadd.s32 s2, s16  }
0x8e: {  	[smem:$0x3FC5] =	sst s2  }
0x8f: {  	_ = 	snop  }
0x90: {  	(tm) =	ssettm $0x1  }
0x91: {  	s17 =	sld [smem:$0x3FFB];
	_ =	sdelay $0x3  }
0x92: {  	_ =	strace s17  }
0x93: {  	s2 =	sld [smem:$0x3FFC];
	_ =	sdelay $0x3  }
0x94: {  	_ =	strace s2  }
0x95: {  	s2 =	sld [smem:$0x3FFD];
	_ =	sdelay $0x3  }
0x96: {  	_ =	strace s2  }
0x97: {  	_ =	strace $0x8FFFFFFF  }
0x98: {  	s18 =	sld [smem:$0x3FDB];
	_ =	sdelay $0x1  }
0x99: {  	s19 =	simm.s32 $_scs_section_size  }
0x9a: {  	s4 =	simm.s32 $_size__tile_overlayer_lowered;
	s5 =	simm.s32 $_tile_overlayer_lowered  }
0x9b: {  	s22 =	simm.s32 $0x1BFF;
	s21 =	sshll.u32 s5, $0x1;
	s2 =	sadd.s32 s19, s18  }
0x9c: {  	s6 =	simm.s32 $0x0;
	s20 =	sshll.u32 s4, $0x1;
	s4 =	sadd.s32 s21, s2  }
0x9d: {  	[timem:s6], [sflag:s22] =	dma.local [hbm:s4], s20  }
0x9e: {  	_ =	swait.ge [sflag:s22], s20  }
0x9f: {  	s3 =	ssub.s32 $0x0, s20;
	[sflag:s22] =	ssyncset.done $0x0  }
0xa0: {  	[sflag:s22] =	ssyncadd.s32 s3;
	_ =	sdelay $0x1  }
0xa1: {  	s23 =	simm.s32 $0x1B8B  }
0xa2: {  	_ =	swait.ge [sflag:s23], $0x1  }
0xa3: {  	[sflag:s23] =	ssyncset.done $0x0  }
0xa4: {  	s25 =	simm.s32 $0x1B8E;
	s24 =	sld [smem:$0x3FFE];
	[sflag:s23] =	ssyncadd.s32 $0xFFFFFFFF  }
0xa5: {  	s26 =	simm.s32 $execute0_lowered;
	[smem:$0x3FD2] =	sst s25  }
0xa6: {  	s4 =	sshll.u32 s26, $0x1;
	_ =	strace $0x80000046;
	[dreg:$0x1] =	wrdreg $0xFFFFFFFF  }
0xa7: {  	s28 =	simm.s32 $_size_execute0_lowered;
	s2 =	sadd.s32 s2, s4;
	[dreg:$0x0] =	wrdreg $0x0  }
0xa8: {  	s4 =	sshll.u32 s28, $0x1;
	[dreg:$0x2] =	wrdreg s2  }
0xa9: {  	[dreg:$0x3] =	wrdreg s4  }
0xaa: {  	[dreg:$0x4] =	wrdreg $0xC0  }
0xab: {  	_ =	task [dreg:s6], $0x5FFFF  }
0xac: {  	[dreg:$0x1] =	wrdreg $0xFFFFFFFF  }
0xad: {  	[dreg:$0x0] =	wrdreg $0x60  }
0xae: {  	[dreg:$0x2] =	wrdreg s24  }
0xaf: {  	[dreg:$0x3] =	wrdreg $0x9  }
0xb0: {  	_ =	task.clear_ibuf [dreg:s6], $0x4FFFF;
	_ =	strace $0x90000046  }
0xb1: {  	s29 =	simm.s32 $0x9;
	_ =	strace $0x80000048  }
0xb2: {  	_ =	swait.ge [sflag:s29], $0x1  }
0xb3: {  	[sflag:s29] =	ssyncadd.s32 $0xFFFFFFFF  }
0xb4: {  	_ =	strace $0x90000048  }
0xb5: {  	_ =	sfence  }
0xb6: {  	s30 =	sld [smem:$0x0];
	_ =	sdelay $0x2  }
0xb7: {  	s31 =	sshll.u32 s1, $0xD;
	s1 =	sshrl.u32 s1, $0x2  }
0xb8: {  	s3 =	sand.u32 $0x4000, s31;
	s1 =	sadd.s32 s1, s30  }
0xb9: {  	s0 =	sor.u32 s3, s0;
	s1 =	sshll.u32 s1, $0x11  }
0xba: {  	s0 =	sor.u32 s1, s0  }
0xbb: {  	s0 =	sadd.s32 $0x8F2B, s0  }
0xbc: {  	[sflag:s0] =	ssyncadd.remote.s32 $0x1  }
0xbd: {  	_ =	sfence.sel $0xFFFF  }
0xbe: {  	[dreg:$0x0] =	wrdreg $0xFFFFFFFF;
	(pc) =	sbr.abs _section_cstart, $3  }
0xbf: {  	[dreg:$0x1] =	wrdreg $0xFFFFFFFF  }
0xc0: {  	_ =	task.clear_ibuf [dreg:s6], $0x2FFFF;
	_ =	strace $0x9FFFFFFF  }
0xc1: {  	(tm) =	ssettm $0x7FFFFFFF  }
tec
execute0_lowered:
.L_overlay_start_1:
0x0: {  	(tag) =	ssettag $0x1  }
0x1: {  	s1 =	stileid.u32  }
0x2: {  	p0 =	sgt.u32 s1, $0x3  }
.Ltmp0:
0x3: {  	_ = 	snop;
	(pc) =	sbr.rel @p0 .LBB2_9-.Ltmp0, $4  }
0x4: {  	_ = 	snop  }
0x5: {  	s2 =	simm.s32 $0x0  }
0x6: {  	[smem:$0x7FF] =	sst s2  }
0x7: {  	s3 =	rddreg [dreg:$0x0];
	_ =	strace $0x80000047  }
0x8: {  	v0 =	vimm.s32 $0x76543210;
	v1 =	vimm.s32 $0xFEDCBA98  }
0x9: {  	v2 =	vimm.s32 $0x3210FEDC;
	v3 =	vimm.s32 $0xBA987654;
	v4 =	vimm.s32 $0x10FEDCBA  }
0xa: {  	v5 =	vimm.s32 $0x98765432;
	v6 =	vimm.s32 $0xFEDCBA9;
	v7 =	vimm.s32 $0x87654321  }
0xb: {  	s4 =	srdreg.scid;
	vm0 =	vmmov $0x1;
	vm1 =	vcmask $0x314;
	vm2 =	vcmask $0x714  }
0xc: {  	s5 =	sshll.u32 s1, $0x5;
	s9 =	sadd.s32 $0xE00, s3;
	s13 =	simm.s32 $0x1;
	v0 =	vunpack.c.l.s4.s8 v0;
	v1 =	vunpack.c.l.s4.s8 v1;
	v2 =	vunpack.c.l.s4.s8 v2  }
0xd: {  	s14 =	simm.s32 $0x4E80;
	s15 =	simm.s32 $0x9D00;
	s4 =	sand.u32 $0x1, s4;
	v3 =	vunpack.c.l.s4.s8 v3;
	v4 =	vunpack.c.l.s4.s8 v4;
	v5 =	vunpack.c.l.s4.s8 v5  }
0xe: {  	s16 =	simm.s32 $0xEB80;
	s17 =	simm.s32 $0x13A00;
	v6 =	vunpack.c.l.s4.s8 v6;
	v7 =	vunpack.c.l.s4.s8 v7;
	s6 =	sshll.u32 s4, $0x4;
	v2 =	vunpack.c.0.s8.s32 v2  }
0xf: {  	s18 =	simm.s32 $0x18880;
	s11 =	ssub.s32 $0x2, s4;
	s10 =	sor.u32 s6, s5;
	v3 =	vunpack.c.0.s8.s32 v3;
	v4 =	vunpack.c.0.s8.s32 v4;
	v5 =	vunpack.c.0.s8.s32 v5  }
0x10: {  	s19 =	simm.s32 $0x1D700;
	s12 =	sshrl.u32 s11, $0x1;
	v1 =	vunpack.c.0.s8.s32 v1;
	v6 =	vunpack.c.0.s8.s32 v6;
	v7 =	vunpack.c.0.s8.s32 v7;
	s5 =	sadd.s32 s10, s9  }
0x11: {  	s8 =	sadd.s32 s10, s3;
	s11 =	ssub.s32 s11, s12;
	s9 =	sadd.s32 s9, s10;
	v2 =	vcombine.low v3, v2;
	v3 =	vcombine.low v5, v4;
	v4 =	vunpack.c.0.s8.s32 v0  }
0x12: {  	vm3 =	vcmask $0xB14;
	s12 =	simm.s32 $0x400;
	s3 =	sadd.s32 $0x4E80, s5;
	s4 =	sadd.s32 $0x9D00, s5;
	v5 =	vcombine.low v7, v6;
	v1 =	vand.u32 $0xF, v1  }
0x13: {  	vm4 =	vcmask $0xF14;
	s5 =	sadd.s32 $0xEB80, s5;
	s6 =	sadd.s32 $0x14800, s8;
	s7 =	sadd.s32 $0x19800, s8;
	v0 =	vlaneseq.u32;
	v1 =	vcombine.low v1, v4  }
0x14: {  	s8 =	sadd.s32 $0x1E800, s8;
	s10 =	smax.u32 s11, $0x1;
	s11 =	simm.s32 $0x80;
	v2 =	vand.u32 $0xF, v2;
	v3 =	vand.u32 $0xF, v3;
	v4 =	vand.u32 $0xF, v5  }
.LBB2_2:
0x15: {  	s20 =	simm.s32 $0x0  }
0x16: {  	[tilespmem:s20], [sflag:$0x1] =	stream.strided.gather [hbm4b:s9+s11], $0x4E80, s12, s11, $0x38;
	[tilespmem:$0x1DD80] =	vst v63  }
0x17: {  	_ =	swait.ge [sflag:s13], $0x4E80  }
0x18: {  	[sflag:s13] =	ssyncset.done $0x0  }
0x19: {  	[sflag:s13] =	ssyncadd.s32 $0xFFFFB180  }
0x1a: {  	[tilespmem:s14], [sflag:$0x1] =	stream.strided.gather [hbm4b:s3+s11], $0x4E80, s12, s11, $0x38;
	[tilespmem:$0x1DD80] =	vst v63  }
0x1b: {  	_ =	swait.ge [sflag:s13], $0x4E80  }
0x1c: {  	[sflag:s13] =	ssyncset.done $0x0  }
0x1d: {  	[sflag:s13] =	ssyncadd.s32 $0xFFFFB180  }
0x1e: {  	[tilespmem:s15], [sflag:$0x1] =	stream.strided.gather [hbm4b:s4+s11], $0x4E80, s12, s11, $0x38;
	[tilespmem:$0x1DD80] =	vst v63  }
0x1f: {  	_ =	swait.ge [sflag:s13], $0x4E80  }
0x20: {  	[sflag:s13] =	ssyncset.done $0x0  }
0x21: {  	[sflag:s13] =	ssyncadd.s32 $0xFFFFB180  }
0x22: {  	[tilespmem:s16], [sflag:$0x1] =	stream.strided.gather [hbm4b:s5+s11], $0x4E80, s12, s11, $0x38;
	[tilespmem:$0x1DD80] =	vst v63  }
0x23: {  	_ =	swait.ge [sflag:s13], $0x4E80  }
0x24: {  	[sflag:s13] =	ssyncset.done $0x0  }
0x25: {  	[sflag:s13] =	ssyncadd.s32 $0xFFFFB180  }
0x26: {  	[tilespmem:s17], [sflag:$0x1] =	stream.strided.gather [hbm4b:s6+s11], $0x4E80, s12, s11, $0x38;
	[tilespmem:$0x1DD80] =	vst v63  }
0x27: {  	_ =	swait.ge [sflag:s13], $0x4E80  }
0x28: {  	[sflag:s13] =	ssyncset.done $0x0  }
0x29: {  	[sflag:s13] =	ssyncadd.s32 $0xFFFFB180  }
0x2a: {  	[tilespmem:s18], [sflag:$0x1] =	stream.strided.gather [hbm4b:s7+s11], $0x4E80, s12, s11, $0x38;
	[tilespmem:$0x1DD80] =	vst v63  }
0x2b: {  	_ =	swait.ge [sflag:s13], $0x4E80  }
0x2c: {  	[sflag:s13] =	ssyncset.done $0x0  }
0x2d: {  	s21 =	simm.s32 $0x13A20;
	[sflag:s13] =	ssyncadd.s32 $0xFFFFB180  }
0x2e: {  	v5 =	vld [tilespmem:s21+$0xFFFFFFE0];
	_ =	sdelay $0x2  }
0x2f: {  	v6 =	vld [tilespmem:s21+$0xFFFFFFF0]  }
0x30: {  	v7 =	vimm.f32 $-2.000000000e+09  }
0x31: {  	v8 =	vld [tilespmem:s21+$0x0];
	vm5 =	vgt.f32 v5, v7  }
0x32: {  	v9 =	vor.u32 s20, v0;
	v7 =	vsel vm5, v5, v7;
	v5 =	vimm.s32 $0x0  }
0x33: {  	v9 =	vsel vm5, v9, v5;
	v5 =	vld [tilespmem:s21+$0x10]  }
0x34: {  	s22 =	simm.s32 $0x10;
	vm6 =	vgt.f32 v6, v7  }
0x35: {  	s31 =	simm.s32 $0x20;
	v10 =	vor.u32 s22, v0;
	v11 =	vsel vm6, v6, v7;
	v6 =	vld [tilespmem:s21+$0x20]  }
0x36: {  	v12 =	vor.u32 s31, v0;
	s22 =	simm.s32 $0x13A70;
	v10 =	vsel vm6, v10, v9;
	vm5 =	vgt.f32 v8, v11  }
0x37: {  	s23 =	simm.s32 $0xA0;
	s24 =	simm.s32 $0x30;
	s21 =	simm.s32 $0x50;
	v7 =	vld [tilespmem:s22+$0xFFFFFFE0];
	v9 =	vsel vm5, v8, v11;
	v8 =	vsel vm5, v12, v10  }
.LBB2_3:
0x38: {  	p0 =	slt.u32 s23, $0x4DD0;
	v10 =	vor.u32 s24, v0;
	vm5 =	vgt.f32 v5, v9  }
0x39: {  	s24 =	sadd.s32 $0x40, s20;
	s20 =	smov.u32 s21;
	s21 =	smov.u32 s23;
	v11 =	vld [tilespmem:s22+$0xFFFFFFF0];
	v5 =	vsel vm5, v5, v9;
	v8 =	vsel vm5, v10, v8  }
0x3a: {  	v9 =	vor.u32 s24, v0;
	vm5 =	vgt.f32 v6, v5  }
0x3b: {  	v10 =	vld [tilespmem:s22+$0x0];
	v5 =	vsel vm5, v6, v5;
	v6 =	vsel vm5, v9, v8  }
0x3c: {  	v8 =	vor.u32 s20, v0;
	vm5 =	vgt.f32 v7, v5  }
.Ltmp1:
0x3d: {  	s24 =	sadd.s32 $0x10, s20;
	v7 =	vsel vm5, v7, v5;
	v6 =	vsel vm5, v8, v6;
	v5 =	vld [tilespmem:s22+$0x10];
	(pc) =	sbr.rel @p0 .LBB2_3-.Ltmp1, $4  }
0x3e: {  	v8 =	vor.u32 s24, v0;
	vm5 =	vgt.f32 v11, v7  }
0x3f: {  	s24 =	sadd.s32 $0x20, s20;
	v9 =	vsel vm5, v11, v7;
	v8 =	vsel vm5, v8, v6;
	v6 =	vld [tilespmem:s22+$0x20]  }
0x40: {  	v11 =	vor.u32 s24, v0;
	s22 =	sadd.s32 $0x50, s22;
	vm5 =	vgt.f32 v10, v9  }
0x41: {  	s23 =	sadd.s32 $0x50, s23;
	s24 =	sadd.s32 $0x30, s20;
	v7 =	vld [tilespmem:s22+$0xFFFFFFE0];
	v9 =	vsel vm5, v10, v9;
	v8 =	vsel vm5, v11, v8  }
0x42: {  	vm5 =	vgt.f32 v5, v9  }
0x43: {  	v10 =	vld [tilespmem:s22+$0xFFFFFFF0];
	v5 =	vsel vm5, v5, v9  }
0x44: {  	vm6 =	vgt.f32 v6, v5  }
0x45: {  	v9 =	vld [tilespmem:s22+$0x0];
	v5 =	vsel vm6, v6, v5  }
0x46: {  	vm7 =	vgt.f32 v7, v5  }
0x47: {  	v6 =	vld [tilespmem:s22+$0x10];
	v5 =	vsel vm7, v7, v5  }
0x48: {  	s20 =	sadd.s32 $0x40, s20;
	v7 =	vor.u32 s24, v0;
	vm8 =	vgt.f32 v10, v5  }
0x49: {  	v7 =	vsel vm5, v7, v8;
	v8 =	vor.u32 s20, v0;
	v5 =	vsel vm8, v10, v5;
	v10 =	vld [tilespmem:s22+$0x20]  }
0x4a: {  	s28 =	sadd.s32 $0x10, s21;
	v7 =	vsel vm6, v8, v7;
	v8 =	vor.u32 s21, v0;
	vm5 =	vgt.f32 v9, v5  }
0x4b: {  	s29 =	sadd.s32 $0x20, s21;
	v7 =	vsel vm7, v8, v7;
	v8 =	vor.u32 s28, v0;
	v5 =	vsel vm5, v9, v5  }
0x4c: {  	s30 =	sadd.s32 $0x30, s21;
	v7 =	vsel vm8, v8, v7;
	v8 =	vor.u32 s29, v0;
	vm6 =	vgt.f32 v6, v5  }
0x4d: {  	s31 =	sadd.s32 $0x40, s21;
	v7 =	vsel vm5, v8, v7;
	v8 =	vor.u32 s30, v0;
	v5 =	vsel vm6, v6, v5  }
0x4e: {  	v6 =	vsel vm6, v8, v7;
	v7 =	vor.u32 s31, v0;
	vm5 =	vgt.f32 v10, v5  }
0x4f: {  	v5 =	vsel vm5, v10, v5;
	v6 =	vsel vm5, v7, v6  }
0x50: {  	v7 =	vperm.xlane v5, v1;
	v8 =	vperm.xlane v6, v1;
	_ =	sdelay $0x1  }
0x51: {  	vm5 =	veq.f32 v7, v5;
	vm6 =	vlt.s32 v8, v6  }
0x52: {  	vm7 =	vgt.f32 v7, v5;
	vm5 =	vmand vm5, vm6  }
0x53: {  	vm5 =	vmor vm7, vm5  }
0x54: {  	v5 =	vsel vm5, v7, v5;
	v6 =	vsel vm5, v8, v6  }
0x55: {  	v7 =	vperm.xlane v5, v2;
	v8 =	vperm.xlane v6, v2;
	_ =	sdelay $0x1  }
0x56: {  	vm5 =	veq.f32 v7, v5;
	vm6 =	vlt.s32 v8, v6  }
0x57: {  	vm7 =	vgt.f32 v7, v5;
	vm5 =	vmand vm5, vm6  }
0x58: {  	vm5 =	vmor vm7, vm5  }
0x59: {  	v5 =	vsel vm5, v7, v5;
	v6 =	vsel vm5, v8, v6  }
0x5a: {  	v7 =	vperm.xlane v5, v3;
	v8 =	vperm.xlane v6, v3;
	_ =	sdelay $0x1  }
0x5b: {  	vm5 =	veq.f32 v7, v5;
	vm6 =	vlt.s32 v8, v6  }
0x5c: {  	vm7 =	vgt.f32 v7, v5;
	vm5 =	vmand vm5, vm6  }
0x5d: {  	vm5 =	vmor vm7, vm5  }
0x5e: {  	v5 =	vsel vm5, v7, v5;
	v6 =	vsel vm5, v8, v6  }
0x5f: {  	v7 =	vperm.xlane v5, v4;
	v8 =	vperm.xlane v6, v4;
	_ =	sdelay $0x1  }
0x60: {  	vm5 =	veq.f32 v7, v5;
	vm6 =	vlt.s32 v8, v6  }
0x61: {  	vm7 =	vgt.f32 v7, v5;
	vm5 =	vmand vm5, vm6  }
0x62: {  	vm5 =	vmor vm7, vm5  }
0x63: {  	s20 =	simm.s32 $0x0;
	s21 =	simm.s32 $0x0;
	v10 =	vsel vm5, v7, v5;
	v5 =	vsel vm5, v8, v6  }
.LBB2_5:
0x64: {  	_ =	sdelay $0x3  }
0x65: {  	v9 =	vld.idx.msk [tilespmem:v5+s20+$0x0], $0xffff  }
0x66: {  	v8 =	vld.idx.msk [tilespmem:v5+s14+$0x0], $0xffff  }
0x67: {  	v6 =	vld.idx.msk [tilespmem:v5+s15+$0x0], $0xffff  }
0x68: {  	v7 =	vld.idx.msk [tilespmem:v5+s16+$0x0], $0xffff;
	_ =	sdelay $0x1  }
0x69: {  	v11 =	vnsel vm0, $0x0, v9  }
0x6a: {  	v11 =	vsel vm1, v11, v8  }
0x6b: {  	v11 =	vsel vm2, v11, v6  }
0x6c: {  	v11 =	vsel vm3, v11, v7  }
0x6d: {  	vm5 =	vgt.f32 v10, $3.000000120e-01;
	s22 =	sshll.u32 s21, $0x4;
	v10 =	vsel vm4, v11, v10  }
0x6e: {  	s22 =	sand.u32 $0x3FFFFFF0, s22;
	v10 =	vnsel vm5, $0x0, v10  }
0x6f: {  	v5 =	vld.idx.msk [tilespmem:v5+s18+$0x0], $0xffff;
	s23 =	simm.s32 $0x188A0;
	[tilespmem:s22+$0x1D700] =	vst v10  }
0x70: {  	v10 =	vld [tilespmem:s23+$0x10]  }
0x71: {  	s31 =	simm.s32 $0x20;
	v11 =	vld [tilespmem:s23+$0x0]  }
0x72: {  	s24 =	simm.s32 $0x4EA0;
	v12 =	vld [tilespmem:s31+$0x20]  }
0x73: {  	s25 =	simm.s32 $0x9D20;
	v13 =	vld [tilespmem:s24+$0x20]  }
0x74: {  	s26 =	simm.s32 $0xEBA0;
	v14 =	vld [tilespmem:s25+$0x20]  }
0x75: {  	v15 =	vld [tilespmem:s26+$0x20]  }
0x76: {  	v16 =	vld [tilespmem:s23+$0xFFFFFFF0]  }
0x77: {  	v17 =	vld [tilespmem:s31+$0x10]  }
0x78: {  	v18 =	vld [tilespmem:s24+$0x10]  }
0x79: {  	v19 =	vld [tilespmem:s25+$0x10]  }
0x7a: {  	v20 =	vld [tilespmem:s26+$0x10]  }
0x7b: {  	v21 =	vld [tilespmem:s23+$0xFFFFFFE0]  }
0x7c: {  	v22 =	vld [tilespmem:s31+$0x0]  }
0x7d: {  	v23 =	vld [tilespmem:s24+$0x0]  }
0x7e: {  	v24 =	vld [tilespmem:s25+$0x0]  }
0x7f: {  	v25 =	vld [tilespmem:s26+$0x0]  }
0x80: {  	v26 =	vld [tilespmem:s31+$0xFFFFFFF0]  }
0x81: {  	v27 =	vld [tilespmem:s24+$0xFFFFFFF0]  }
0x82: {  	v28 =	vld [tilespmem:s31+$0xFFFFFFE0]  }
0x83: {  	v29 =	vld [tilespmem:s24+$0xFFFFFFE0];
	v10 =	vadd.f32 v10, v5;
	v11 =	vadd.f32 v11, v5;
	v12 =	vmax.f32 v9, v12  }
0x84: {  	v30 =	vld [tilespmem:s25+$0xFFFFFFE0];
	v13 =	vmax.f32 v8, v13;
	v14 =	vmin.f32 v6, v14;
	v15 =	vmin.f32 v7, v15  }
0x85: {  	v31 =	vld [tilespmem:s26+$0xFFFFFFE0];
	v16 =	vadd.f32 v16, v5;
	v17 =	vmax.f32 v9, v17;
	v18 =	vmax.f32 v8, v18  }
0x86: {  	v32 =	vld [tilespmem:s25+$0xFFFFFFF0];
	v19 =	vmin.f32 v6, v19;
	v20 =	vmin.f32 v7, v20;
	v21 =	vadd.f32 v21, v5  }
0x87: {  	v33 =	vld [tilespmem:s26+$0xFFFFFFF0];
	v22 =	vmax.f32 v9, v22;
	v23 =	vmax.f32 v8, v23;
	v24 =	vmin.f32 v6, v24  }
0x88: {  	v26 =	vmax.f32 v9, v26;
	v25 =	vmin.f32 v7, v25;
	v27 =	vmax.f32 v8, v27  }
0x89: {  	s22 =	simm.s32 $0x13A20;
	v28 =	vmax.f32 v9, v28;
	v29 =	vmax.f32 v8, v29;
	v30 =	vmin.f32 v6, v30  }
0x8a: {  	v34 =	vld [tilespmem:s22+$0xFFFFFFE0];
	s24 =	simm.s32 $0x70;
	v31 =	vmin.f32 v7, v31;
	v12 =	vsub.f32 v14, v12;
	v13 =	vsub.f32 v15, v13  }
0x8b: {  	s25 =	simm.s32 $0x4EF0;
	v40 =	vld [tilespmem:s24+$0x0];
	v14 =	vsub.f32 v30, v28;
	v15 =	vsub.f32 v31, v29;
	v28 =	vmin.f32 v6, v32  }
0x8c: {  	s26 =	simm.s32 $0x9D70;
	v41 =	vld [tilespmem:s25+$0x0];
	v31 =	vmin.f32 v7, v33;
	v17 =	vsub.f32 v19, v17;
	v26 =	vsub.f32 v28, v26  }
0x8d: {  	v44 =	vld [tilespmem:s26+$0x0];
	v27 =	vsub.f32 v31, v27;
	v14 =	vmax.f32 v14, $0.0e+00;
	v15 =	vmax.f32 v15, $0.0e+00  }
0x8e: {  	v29 =	vld [tilespmem:s23+$0x20];
	v18 =	vsub.f32 v20, v18;
	v23 =	vsub.f32 v25, v23;
	v15 =	vmul.f32 v15, v14  }
0x8f: {  	s23 =	simm.s32 $0x188F0;
	v25 =	vld [tilespmem:s26+$0x20];
	v14 =	vsub.f32 v24, v22;
	v20 =	vmax.f32 v26, $0.0e+00;
	v24 =	vmax.f32 v27, $0.0e+00  }
0x90: {  	v30 =	vld [tilespmem:s23+$0x10];
	v17 =	vmax.f32 v17, $0.0e+00;
	v27 =	vmul.f32 v24, v20;
	v21 =	vsub.f32 v21, v15  }
0x91: {  	v19 =	vld [tilespmem:s23+$0x0];
	v18 =	vmax.f32 v18, $0.0e+00;
	v20 =	vmax.f32 v23, $0.0e+00;
	v14 =	vmax.f32 v14, $0.0e+00  }
0x92: {  	v28 =	vld [tilespmem:s24+$0x20];
	v16 =	vsub.f32 v16, v27;
	v53 =	vmul.f32 v20, v14;
	v21 =	vadd.f32 $9.999999970e-07, v21  }
0x93: {  	v31 =	vld [tilespmem:s24+$0x10];
	v12 =	vmax.f32 v12, $0.0e+00;
	v13 =	vmax.f32 v13, $0.0e+00;
	v54 =	vmul.f32 v18, v17  }
0x94: {  	s28 =	simm.s32 $0xEBF0;
	v37 =	vld [tilespmem:s23+$0xFFFFFFE0];
	v14 =	vadd.f32 $9.999999970e-07, v16;
	v11 =	vsub.f32 v11, v53;
	(erf) = vrcp.f32 v21  }
0x95: {  	v35 =	vimm.f32 $-2.000000000e+09;
	v26 =	vld [tilespmem:s28+$0x20];
	v38 =	vmul.f32 v13, v12;
	v12 =	vadd.f32 v29, v5  }
0x96: {  	v22 =	vld [tilespmem:s25+$0x20];
	v10 =	vsub.f32 v10, v54;
	v13 =	vadd.f32 $9.999999970e-07, v11;
	(erf) = vrcp.f32 v14  }
0x97: {  	v36 =	vimm.s32 $0x0;
	v39 =	vor.u32 s20, v0;
	s30 =	simm.s32 $0x20;
	v17 =	vld [tilespmem:s25+$0x10];
	v12 =	vsub.f32 v12, v38  }
0x98: {  	v43 =	vor.u32 s30, v0;
	v23 =	vld [tilespmem:s23+$0xFFFFFFF0];
	v14 =	vadd.f32 $9.999999970e-07, v10;
	(erf) = vrcp.f32 v13  }
0x99: {  	v29 =	vld [tilespmem:s28+$0x10];
	v24 =	vmin.f32 v6, v25;
	v20 =	vmax.f32 v9, v28;
	v16 =	vadd.f32 $9.999999970e-07, v12  }
0x9a: {  	v18 =	vld [tilespmem:s26+$0x10];
	v25 =	vmin.f32 v7, v26;
	v26 =	vmin.f32 v6, v44;
	(erf) = vrcp.f32 v14  }
0x9b: {  	s29 =	simm.s32 $0x40;
	v28 =	vld [tilespmem:s24+$0xFFFFFFF0];
	v12 =	vadd.f32 v19, v5;
	v21 =	vmax.f32 v8, v22;
	(erf) = vrcp.f32 v16  }
0x9c: {  	s31 =	simm.s32 $0x30;
	v19 =	vmax.f32 v9, v31;
	v11 =	vor.u32 s29, v0;
	s29 =	simm.s32 $0x10;
	v10 =	vadd.f32 v30, v5;
	v30 =	vld [tilespmem:s28+$0x0]  }
0x9d: {  	v42 =	vor.u32 s29, v0;
	v13 =	vor.u32 s31, v0;
	v14 =	vadd.f32 v23, v5;
	v22 =	vpop (erf)  }
0x9e: {  	v45 =	vld [tilespmem:s22+$0xFFFFFFF0];
	v16 =	vmax.f32 v8, v17;
	v17 =	vmin.f32 v7, v29;
	v29 =	vmul.f32 v22, v15  }
0x9f: {  	v23 =	vmin.f32 v6, v18;
	v18 =	vmax.f32 v8, v41;
	v15 =	vadd.f32 v37, v5;
	v31 =	vpop (erf)  }
0xa0: {  	v56 =	vld [tilespmem:s22+$0x0];
	v22 =	vmax.f32 v9, v40;
	v55 =	vmul.f32 v31, v27;
	vm5 =	vgt.f32 v29, $5.000000000e-01  }
0xa1: {  	v57 =	vld [tilespmem:s22+$0x10];
	v31 =	vmax.f32 v9, v28;
	v27 =	vmin.f32 v7, v30;
	v30 =	vpop (erf);
	v28 =	vsel vm5, $0xCE6E6B28, v34  }
0xa2: {  	v29 =	vld [tilespmem:s22+$0x20];
	vm6 =	vgt.f32 v55, $5.000000000e-01;
	v30 =	vmul.f32 v30, v53;
	vm5 =	vgt.f32 v28, v35  }
0xa3: {  	v34 =	vld [tilespmem:s25+$0xFFFFFFF0];
	v61 =	vpop (erf);
	v60 =	vsel vm6, $0xCE6E6B28, v45;
	v58 =	vsel vm5, v28, v35;
	v59 =	vsel vm5, v39, v36  }
0xa4: {  	v63 =	vpop (erf);
	vm5 =	vgt.f32 v30, $5.000000000e-01;
	v35 =	vld [tilespmem:s24+$0xFFFFFFE0];
	v30 =	vmul.f32 v61, v54;
	vm6 =	vgt.f32 v60, v58  }
0xa5: {  	[tilespmem:s22+$0xFFFFFFE0] =	vst v28;
	v36 =	vld [tilespmem:s25+$0xFFFFFFE0];
	v32 =	vmul.f32 v63, v38;
	v62 =	vsel vm5, $0xCE6E6B28, v56;
	v28 =	vsel vm6, v60, v58  }
0xa6: {  	v37 =	vld [tilespmem:s26+$0xFFFFFFE0];
	[tilespmem:s22+$0xFFFFFFF0] =	vst v60;
	v42 =	vsel vm6, v42, v59;
	vm6 =	vgt.f32 v30, $5.000000000e-01;
	vm5 =	vgt.f32 v62, v28  }
0xa7: {  	s30 =	simm.s32 $0xA0;
	s29 =	simm.s32 $0x50;
	v38 =	vld [tilespmem:s28+$0xFFFFFFE0];
	[tilespmem:s22+$0x0] =	vst v62;
	v33 =	vsel vm5, v62, v28;
	v30 =	vsel vm5, v43, v42;
	v28 =	vsel vm6, $0xCE6E6B28, v57  }
.LBB2_6:
0xa8: {  	p0 =	slt.u32 s30, $0x4DD0;
	v39 =	vld [tilespmem:s26+$0xFFFFFFF0];
	v34 =	vmax.f32 v8, v34;
	[tilespmem:s22+$0x10] =	vst v28;
	vm5 =	vgt.f32 v28, v33;
	vm6 =	vgt.f32 v32, $5.000000000e-01  }
0xa9: {  	v32 =	vld [tilespmem:s28+$0xFFFFFFF0];
	v28 =	vsel vm5, v28, v33;
	v13 =	vsel vm5, v13, v30;
	v29 =	vsel vm6, $0xCE6E6B28, v29  }
0xaa: {  	v33 =	vmax.f32 v9, v35;
	v35 =	vmax.f32 v8, v36;
	[tilespmem:s22+$0x20] =	vst v29;
	vm5 =	vgt.f32 v29, v28  }
0xab: {  	s22 =	sadd.s32 $0x50, s22;
	v36 =	vmin.f32 v6, v37;
	v28 =	vsel vm5, v29, v28;
	v30 =	vsel vm5, v11, v13  }
0xac: {  	v13 =	vsub.f32 v24, v20;
	v20 =	vsub.f32 v25, v21;
	v29 =	vld [tilespmem:s22+$0xFFFFFFE0];
	v11 =	vmin.f32 v7, v38  }
0xad: {  	v21 =	vsub.f32 v36, v33;
	v11 =	vsub.f32 v11, v35;
	v24 =	vmin.f32 v6, v39;
	v25 =	vld [tilespmem:s23+$0x20];
	s23 =	sadd.s32 $0x50, s23  }
0xae: {  	v19 =	vsub.f32 v23, v19;
	v33 =	vld [tilespmem:s23+$0x10];
	v32 =	vmin.f32 v7, v32;
	v24 =	vsub.f32 v24, v31  }
0xaf: {  	s24 =	sadd.s32 $0x50, s24;
	v21 =	vmax.f32 v21, $0.0e+00;
	v23 =	vld [tilespmem:s23+$0x0];
	v11 =	vmax.f32 v11, $0.0e+00;
	v31 =	vsub.f32 v32, v34  }
0xb0: {  	v16 =	vsub.f32 v17, v16;
	s25 =	sadd.s32 $0x50, s25;
	v32 =	vld [tilespmem:s24+$0x20];
	v34 =	vmul.f32 v11, v21;
	v11 =	vsub.f32 v26, v22  }
0xb1: {  	v18 =	vsub.f32 v27, v18;
	s26 =	sadd.s32 $0x50, s26;
	v21 =	vmax.f32 v24, $0.0e+00;
	v17 =	vld [tilespmem:s25+$0x20];
	v22 =	vmax.f32 v31, $0.0e+00  }
0xb2: {  	s28 =	sadd.s32 $0x50, s28;
	v19 =	vmax.f32 v19, $0.0e+00;
	v24 =	vld [tilespmem:s26+$0x20];
	v15 =	vsub.f32 v15, v34;
	v27 =	vmul.f32 v22, v21  }
0xb3: {  	v18 =	vmax.f32 v18, $0.0e+00;
	v16 =	vmax.f32 v16, $0.0e+00;
	v11 =	vmax.f32 v11, $0.0e+00;
	v22 =	vld [tilespmem:s28+$0x20]  }
0xb4: {  	v35 =	vmul.f32 v18, v11;
	v26 =	vld [tilespmem:s23+$0xFFFFFFF0];
	v15 =	vadd.f32 $9.999999970e-07, v15;
	v14 =	vsub.f32 v14, v27  }
0xb5: {  	v36 =	vmul.f32 v16, v19;
	v11 =	vmax.f32 v13, $0.0e+00;
	v13 =	vmax.f32 v20, $0.0e+00;
	v18 =	vld [tilespmem:s24+$0x10]  }
0xb6: {  	v12 =	vsub.f32 v12, v35;
	v16 =	vld [tilespmem:s25+$0x10];
	v14 =	vadd.f32 $9.999999970e-07, v14;
	(erf) = vrcp.f32 v15  }
0xb7: {  	v38 =	vmul.f32 v13, v11;
	v13 =	vadd.f32 v25, v5;
	v15 =	vld [tilespmem:s26+$0x10]  }
0xb8: {  	s31 =	sadd.s32 $0x40, s29;
	v10 =	vsub.f32 v10, v36;
	v12 =	vadd.f32 $9.999999970e-07, v12;
	v31 =	vld [tilespmem:s28+$0x10];
	(erf) = vrcp.f32 v14  }
0xb9: {  	v39 =	vor.u32 s29, v0;
	v11 =	vor.u32 s31, v0;
	v37 =	vld [tilespmem:s23+$0xFFFFFFE0]  }
0xba: {  	s0 =	sadd.s32 $0x20, s29;
	s31 =	sadd.s32 $0x10, s29;
	s29 =	sadd.s32 $0x30, s29;
	v19 =	vsub.f32 v13, v38;
	v14 =	vadd.f32 $9.999999970e-07, v10;
	v40 =	vld [tilespmem:s24+$0x0];
	(erf) = vrcp.f32 v12  }
0xbb: {  	v43 =	vor.u32 s0, v0;
	v42 =	vor.u32 s31, v0;
	v13 =	vor.u32 s29, v0;
	s29 =	smov.u32 s30;
	v41 =	vld [tilespmem:s25+$0x0]  }
0xbc: {  	v10 =	vadd.f32 v33, v5;
	v19 =	vadd.f32 $9.999999970e-07, v19;
	v44 =	vld [tilespmem:s26+$0x0];
	(erf) = vrcp.f32 v14  }
0xbd: {  	v20 =	vmax.f32 v9, v32;
	v21 =	vmax.f32 v8, v17;
	v12 =	vadd.f32 v23, v5;
	v33 =	vld [tilespmem:s28+$0x0]  }
0xbe: {  	v24 =	vmin.f32 v6, v24;
	v25 =	vmin.f32 v7, v22;
	v32 =	vld [tilespmem:s24+$0xFFFFFFF0];
	(erf) = vrcp.f32 v19  }
0xbf: {  	v16 =	vmax.f32 v8, v16;
	v14 =	vadd.f32 v26, v5;
	v19 =	vmax.f32 v9, v18;
	v18 =	vpop (erf)  }
0xc0: {  	v23 =	vmin.f32 v6, v15;
	v17 =	vmin.f32 v7, v31;
	v31 =	vmul.f32 v18, v34;
	v45 =	vld [tilespmem:s22+$0xFFFFFFF0]  }
0xc1: {  	v15 =	vadd.f32 v37, v5;
	v22 =	vmax.f32 v9, v40;
	v18 =	vmax.f32 v8, v41;
	v34 =	vpop (erf)  }
0xc2: {  	v26 =	vmin.f32 v6, v44;
	vm5 =	vgt.f32 v31, $5.000000000e-01;
	v34 =	vmul.f32 v34, v27;
	v37 =	vld [tilespmem:s22+$0x0]  }
0xc3: {  	v27 =	vmin.f32 v7, v33;
	v31 =	vmax.f32 v9, v32;
	v32 =	vsel vm5, $0xCE6E6B28, v29;
	v29 =	vld [tilespmem:s22+$0x20];
	v33 =	vpop (erf)  }
0xc4: {  	[tilespmem:s22+$0xFFFFFFE0] =	vst v32;
	vm5 =	vgt.f32 v32, v28;
	vm6 =	vgt.f32 v34, $5.000000000e-01;
	v33 =	vmul.f32 v33, v35;
	v40 =	vld [tilespmem:s22+$0x10]  }
.Ltmp2:
0xc5: {  	v34 =	vld [tilespmem:s25+$0xFFFFFFF0];
	v28 =	vsel vm5, v32, v28;
	v30 =	vsel vm5, v39, v30;
	v41 =	vsel vm6, $0xCE6E6B28, v45;
	v39 =	vpop (erf);
	(pc) =	sbr.rel @p0 .LBB2_6-.Ltmp2, $4  }
0xc6: {  	v35 =	vld [tilespmem:s24+$0xFFFFFFE0];
	[tilespmem:s22+$0xFFFFFFF0] =	vst v41;
	vm5 =	vgt.f32 v41, v28;
	vm6 =	vgt.f32 v33, $5.000000000e-01;
	v33 =	vmul.f32 v39, v36  }
0xc7: {  	v36 =	vld [tilespmem:s25+$0xFFFFFFE0];
	v28 =	vsel vm5, v41, v28;
	v30 =	vsel vm5, v42, v30;
	v39 =	vsel vm6, $0xCE6E6B28, v37;
	v32 =	vpop (erf)  }
0xc8: {  	v37 =	vld [tilespmem:s26+$0xFFFFFFE0];
	[tilespmem:s22+$0x0] =	vst v39;
	vm5 =	vgt.f32 v39, v28;
	vm6 =	vgt.f32 v33, $5.000000000e-01;
	v32 =	vmul.f32 v32, v38  }
0xc9: {  	s30 =	sadd.s32 $0x50, s30;
	v38 =	vld [tilespmem:s28+$0xFFFFFFE0];
	v33 =	vsel vm5, v39, v28;
	v30 =	vsel vm5, v43, v30;
	v28 =	vsel vm6, $0xCE6E6B28, v40  }
0xca: {  	v39 =	vld [tilespmem:s26+$0xFFFFFFF0]  }
0xcb: {  	v40 =	vld [tilespmem:s28+$0xFFFFFFF0]  }
0xcc: {  	v34 =	vmax.f32 v8, v34  }
0xcd: {  	v20 =	vsub.f32 v24, v20;
	v21 =	vsub.f32 v25, v21;
	v9 =	vmax.f32 v9, v35  }
0xce: {  	v8 =	vmax.f32 v8, v36;
	v45 =	vmin.f32 v6, v37;
	v46 =	vmin.f32 v7, v38  }
0xcf: {  	v9 =	vsub.f32 v45, v9;
	v8 =	vsub.f32 v46, v8;
	v6 =	vmin.f32 v6, v39  }
0xd0: {  	v19 =	vsub.f32 v23, v19;
	v7 =	vmin.f32 v7, v40;
	v6 =	vsub.f32 v6, v31  }
0xd1: {  	v9 =	vmax.f32 v9, $0.0e+00;
	v7 =	vsub.f32 v7, v34;
	v8 =	vmax.f32 v8, $0.0e+00  }
0xd2: {  	v16 =	vsub.f32 v17, v16;
	v47 =	vsub.f32 v27, v18;
	v8 =	vmul.f32 v8, v9  }
0xd3: {  	v9 =	vsub.f32 v26, v22;
	v6 =	vmax.f32 v6, $0.0e+00;
	v7 =	vmax.f32 v7, $0.0e+00  }
0xd4: {  	v48 =	vld [tilespmem:s23+$0x20];
	v17 =	vmax.f32 v47, $0.0e+00;
	v6 =	vmul.f32 v7, v6;
	v15 =	vsub.f32 v15, v8  }
0xd5: {  	v16 =	vmax.f32 v16, $0.0e+00;
	v7 =	vmax.f32 v19, $0.0e+00;
	v9 =	vmax.f32 v9, $0.0e+00  }
0xd6: {  	v14 =	vsub.f32 v14, v6;
	v9 =	vmul.f32 v17, v9;
	v15 =	vadd.f32 $9.999999970e-07, v15  }
0xd7: {  	v49 =	vmax.f32 v20, $0.0e+00;
	v50 =	vmax.f32 v21, $0.0e+00;
	v7 =	vmul.f32 v16, v7  }
0xd8: {  	v14 =	vadd.f32 $9.999999970e-07, v14;
	v12 =	vsub.f32 v12, v9;
	(erf) = vrcp.f32 v15  }
0xd9: {  	v51 =	vmul.f32 v50, v49;
	v5 =	vadd.f32 v48, v5  }
0xda: {  	v10 =	vsub.f32 v10, v7;
	v12 =	vadd.f32 $9.999999970e-07, v12;
	(erf) = vrcp.f32 v14;
	_ =	sdelay $0x1  }
0xdb: {  	v5 =	vsub.f32 v5, v51;
	v10 =	vadd.f32 $9.999999970e-07, v10;
	(erf) = vrcp.f32 v12;
	_ =	sdelay $0x1  }
0xdc: {  	v5 =	vadd.f32 $9.999999970e-07, v5;
	(erf) = vrcp.f32 v10  }
0xdd: {  	s26 =	sadd.s32 $0x50, s22  }
0xde: {  	v10 =	vld [tilespmem:s26+$0xFFFFFFE0];
	(erf) = vrcp.f32 v5  }
0xdf: {  	vm5 =	vgt.f32 v28, v33;
	vm6 =	vgt.f32 v32, $5.000000000e-01;
	v53 =	vpop (erf)  }
0xe0: {  	s0 =	sadd.s32 $0x10, s29;
	v56 =	vor.u32 s29, v0;
	v52 =	vsel vm6, $0xCE6E6B28, v29;
	v54 =	vld [tilespmem:s26+$0xFFFFFFF0];
	v8 =	vmul.f32 v53, v8  }
0xe1: {  	v13 =	vsel vm5, v13, v30;
	v57 =	vor.u32 s0, v0;
	v5 =	vsel vm5, v28, v33;
	v55 =	vpop (erf)  }
0xe2: {  	vm6 =	vgt.f32 v52, v5;
	v6 =	vmul.f32 v55, v6;
	vm5 =	vgt.f32 v8, $5.000000000e-01;
	v8 =	vld [tilespmem:s26+$0x0]  }
0xe3: {  	v5 =	vsel vm6, v52, v5;
	v11 =	vsel vm6, v11, v13;
	v58 =	vpop (erf);
	v10 =	vsel vm5, $0xCE6E6B28, v10  }
0xe4: {  	s28 =	sadd.s32 $0x20, s29;
	vm6 =	vgt.f32 v6, $5.000000000e-01;
	v6 =	vmul.f32 v58, v9;
	v9 =	vld [tilespmem:s26+$0x10];
	vm5 =	vgt.f32 v10, v5  }
0xe5: {  	v59 =	vor.u32 s28, v0;
	v60 =	vpop (erf);
	v14 =	vsel vm6, $0xCE6E6B28, v54;
	v5 =	vsel vm5, v10, v5  }
0xe6: {  	v61 =	vld [tilespmem:s26+$0x20];
	vm7 =	vgt.f32 v6, $5.000000000e-01;
	v6 =	vmul.f32 v60, v7;
	vm6 =	vgt.f32 v14, v5  }
0xe7: {  	v7 =	vsel vm5, v56, v11;
	v11 =	vpop (erf);
	v5 =	vsel vm6, v14, v5;
	v8 =	vsel vm7, $0xCE6E6B28, v8  }
0xe8: {  	s30 =	sadd.s32 $0x30, s29;
	vm7 =	vgt.f32 v6, $5.000000000e-01;
	v6 =	vmul.f32 v11, v51;
	vm5 =	vgt.f32 v8, v5  }
0xe9: {  	v11 =	vor.u32 s30, v0;
	v9 =	vsel vm7, $0xCE6E6B28, v9;
	v5 =	vsel vm5, v8, v5  }
0xea: {  	v7 =	vsel vm6, v57, v7;
	vm7 =	vgt.f32 v6, $5.000000000e-01;
	vm6 =	vgt.f32 v9, v5  }
0xeb: {  	s31 =	sadd.s32 $0x40, s29;
	v6 =	vsel vm5, v59, v7;
	v7 =	vsel vm7, $0xCE6E6B28, v61;
	v5 =	vsel vm6, v9, v5  }
0xec: {  	v62 =	vor.u32 s31, v0;
	v6 =	vsel vm6, v11, v6;
	vm5 =	vgt.f32 v7, v5  }
0xed: {  	v5 =	vsel vm5, v7, v5;
	v6 =	vsel vm5, v62, v6  }
0xee: {  	v11 =	vperm.xlane v5, v1;
	v13 =	vperm.xlane v6, v1;
	_ =	sdelay $0x1  }
0xef: {  	vm5 =	veq.f32 v11, v5;
	vm6 =	vlt.s32 v13, v6  }
0xf0: {  	vm7 =	vgt.f32 v11, v5;
	vm5 =	vmand vm5, vm6  }
0xf1: {  	vm5 =	vmor vm7, vm5  }
0xf2: {  	v5 =	vsel vm5, v11, v5;
	v6 =	vsel vm5, v13, v6  }
0xf3: {  	v11 =	vperm.xlane v5, v2;
	v13 =	vperm.xlane v6, v2;
	_ =	sdelay $0x1  }
0xf4: {  	vm5 =	veq.f32 v11, v5;
	vm6 =	vlt.s32 v13, v6  }
0xf5: {  	vm7 =	vgt.f32 v11, v5;
	vm5 =	vmand vm5, vm6  }
0xf6: {  	vm5 =	vmor vm7, vm5  }
0xf7: {  	v5 =	vsel vm5, v11, v5;
	v6 =	vsel vm5, v13, v6  }
0xf8: {  	v11 =	vperm.xlane v5, v3;
	v13 =	vperm.xlane v6, v3;
	_ =	sdelay $0x1  }
0xf9: {  	vm5 =	veq.f32 v11, v5;
	vm6 =	vlt.s32 v13, v6  }
0xfa: {  	vm7 =	vgt.f32 v11, v5;
	vm5 =	vmand vm5, vm6  }
0xfb: {  	vm5 =	vmor vm7, vm5  }
0xfc: {  	[tilespmem:s22+$0x10] =	vst v28;
	s21 =	sadd.s32 $0x1, s21;
	v5 =	vsel vm5, v11, v5;
	v6 =	vsel vm5, v13, v6  }
0xfd: {  	p0 =	sne.s32 s21, $0x64;
	[tilespmem:s22+$0x20] =	vst v52;
	v11 =	vperm.xlane v5, v4;
	v63 =	vperm.xlane v6, v4  }
.Ltmp3:
0xfe: {  	[tilespmem:s26+$0xFFFFFFE0] =	vst v10;
	(pc) =	sbr.rel @p0 .LBB2_5-.Ltmp3, $4  }
0xff: {  	[tilespmem:s26+$0xFFFFFFF0] =	vst v14;
	vm5 =	veq.f32 v11, v5;
	vm6 =	vlt.s32 v63, v6  }
0x100: {  	[tilespmem:s26+$0x0] =	vst v8;
	vm7 =	vgt.f32 v11, v5;
	vm5 =	vmand vm5, vm6  }
0x101: {  	[tilespmem:s26+$0x10] =	vst v9;
	vm5 =	vmor vm7, vm5  }
0x102: {  	[tilespmem:s26+$0x20] =	vst v7;
	v10 =	vsel vm5, v11, v5;
	v5 =	vsel vm5, v63, v6  }
0x103: {  	s2 =	sadd.s32 $0x1, s2  }
0x104: {  	p0 =	sne.s32 s2, s10  }
.Ltmp4:
0x105: {  	_ = 	snop;
	(pc) =	sbr.rel @p0 .LBB2_2-.Ltmp4, $4  }
0x106: {  	[hbm4b:s8+s11] =	stream.strided.scatter [tilespmem:s19], [sflag:$0x1], $0x680, s12, s11, $0x38;
	[tilespmem:$0x1DD80] =	vst v63  }
0x107: {  	_ =	swait.ge [sflag:s13], $0x680  }
0x108: {  	[sflag:s13] =	ssyncset.done $0x0  }
0x109: {  	[sflag:s13] =	ssyncadd.s32 $0xFFFFF980  }
.LBB2_9:
0x10a: {  	_ =	sfence.sel $0x180000  }
0x10b: {  	[bflag:$0x0] =	sbarrier.arrive $0xFFFF  }
0x10c: {  	_ =	strace $0x90000047  }
0x10d: {  	[bflag:$0x2] =	sbarrier.arrive $0xFFFF  }
0x10e: {  	p0 =	sne.s32 s1, $0x0;
	s0 =	rddreg [dreg:$0x1]  }
0x10f: {  	s0 =	sadd.s32 @!p0 $0x100000, s0  }
0x110: {  	[sflag:s0] =	ssyncadd.tile.s32 @!p0 $0x1;
	_ =	shalt  }
.Lfunc_end2:
_tile_overlayer_lowered:
.L_overlay_start_2:
0x111: {  	(tag) =	ssettag $0x2  }
0x112: {  	s0 =	rddreg [dreg:$0x0];
	s2 =	stileid.u32  }
0x113: {  	s1 =	rddreg [dreg:$0x1];
	p0 =	sne.s32 s2, $0x0  }
0x114: {  	s3 =	rddreg [dreg:$0x2];
	[bflag:$0x3] =	sbarrier.arrive $0xFFFF;
	s2 =	simm.s32 @!p0 $0x1C01  }
0x115: {  	[timem:s3], [sflag:s2] =	dma.local @!p0 [hbm:s0], s1  }
0x116: {  	s0 =	simm.s32 @!p0 $0x1  }
0x117: {  	_ =	swait.ge @!p0 [sflag:s0], s1  }
0x118: {  	s1 =	ssub.s32 @!p0 $0x0, s1;
	[sflag:s0] =	ssyncset.done @!p0 $0x0  }
0x119: {  	[sflag:s0] =	ssyncadd.s32 @!p0 s1  }
0x11a: {  	[bflag:$0x3] =	sbarrier.arrive $0xFFFF  }
0x11b: {  	_ =	shalt  }

</sc_bundles>
